<compile_context>
chip_gen: v7x
topology: tpu7x:2x2x1
jax: 0.10.2.dev20260603
libtpu: 0.0.44.dev20260713+nightly
codegen_flags: <defaults>
</compile_context>

<pallas_src>
import functools

import jax
import jax.numpy as jnp
from jax import lax
from jax.experimental import pallas as pl
from jax.experimental.pallas import tpu as pltpu
from jax.experimental.pallas import tpu_sc as plsc

_B = 1024
_S = 50
_D = 1000
_STRIPE = 128
_Q = 256
_QLAST = _D - 3 * _Q

_mesh = plsc.VectorSubcoreMesh(core_axis_name="c", subcore_axis_name="s")


@functools.partial(
    pl.kernel,
    mesh=_mesh,
    out_type=jax.ShapeDtypeStruct((_D, _B), jnp.float32),
    compiler_params=pltpu.CompilerParams(needs_layout_passes=False),
    scratch_types=[
        pltpu.VMEM((_S, _STRIPE), jnp.float32),
        pltpu.VMEM((_Q, _STRIPE), jnp.float32),
        pltpu.SemaphoreType.DMA,
    ],
)
def _hist_kernel(in_hbm, out_hbm, in_v, out_v, isem):
    wid = lax.axis_index("s") * 2 + lax.axis_index("c")
    stripe_base = (wid // 4) * _STRIPE
    q = wid % 4

    idma = pltpu.async_copy(
        in_hbm.at[:, pl.ds(stripe_base, _STRIPE)], in_v, isem
    )

    zeros = jnp.zeros((16,), jnp.float32)

    @plsc.parallel_loop(0, _Q, step=4)
    def _(i):
        r = pl.multiple_of(i, 4)
        for k in range(4):
            for c in range(0, _STRIPE, 16):
                out_v[r + k, pl.ds(c, 16)] = zeros

    idma.wait()

    lanes = lax.iota(jnp.int32, 16)
    ones = jnp.ones((16,), jnp.float32)

    @plsc.parallel_loop(0, _S, step=1, unroll=2)
    def _(c):
        for g in range(_STRIPE // 16):
            rows = lanes + g * 16
            vals = in_v[c, pl.ds(g * 16, 16)].astype(jnp.int32)
            mask = lax.shift_right_logical(vals, 8) == q
            local = lax.bitwise_and(vals, _Q - 1)
            plsc.addupdate_scatter(out_v, [local, rows], ones, mask=mask)

    @pl.when(q < 3)
    def _():
        pltpu.sync_copy(
            out_v, out_hbm.at[pl.ds(q * _Q, _Q), pl.ds(stripe_base, _STRIPE)]
        )

    @pl.when(q == 3)
    def _():
        pltpu.sync_copy(
            out_v.at[pl.ds(0, _QLAST)],
            out_hbm.at[pl.ds(3 * _Q, _QLAST), pl.ds(stripe_base, _STRIPE)],
        )


def kernel(inputs):
    return _hist_kernel(inputs.T).T

# --- scband reference (transcript-rebuilt; emitter-appended) ---
"""Pipeline reference for scband-embedder-29300266893362 (READ-ONLY COPY).

The authoritative reference and input builder live on the scoring server;
editing this copy changes nothing except your own understanding.
"""

import jax, jax.numpy as jnp
import numpy as np

DEPTH = 1000

def setup_inputs(seed: int = 0) -> dict:
    key = jax.random.key(seed)
    idx = jax.random.randint(key, (1024, 50), 0, 1000)
    inputs = idx.astype(jnp.float32)
    return {"inputs": inputs}

def reference(inputs):
    # Faithful translation of Embedder.call:
    #   cast to int32, one-hot to depth, sum over sequence axis -> per-row histogram
    idx = inputs.astype(jnp.int32)
    one_hot = jax.nn.one_hot(idx, DEPTH, dtype=jnp.float32, axis=-1)
    encoding = jnp.sum(one_hot, axis=1)
    return encoding

if __name__ == "__main__":
    import jax
    _d = setup_inputs()
    print(jax.jit(kernel)(*tuple(_d.values())))

</pallas_src>

<mosaic_0001>
#map = affine_map<(d0, d1) -> (0, 0)>
module attributes {stable_mosaic.version = 14 : i64} {
  func.func @_hist_kernel(%arg0: i32, %arg1: i32, %arg2: memref<50x1024xf32, #tpu.memory_space<hbm>>, %arg3: memref<1000x1024xf32, #tpu.memory_space<hbm>>, %arg4: memref<50x128xf32, #tpu.memory_space<vmem>>, %arg5: memref<256x128xf32, #tpu.memory_space<vmem>>, %arg6: memref<!tpu.dma_semaphore, #tpu.memory_space<semaphore_mem>>) attributes {dimension_semantics = [#tpu.dimension_semantics<core_parallel>, #tpu.dimension_semantics<subcore_parallel>], iteration_bounds = array<i64: 2, 16>, scalar_prefetch = 0 : i64, scratch_operands = 3 : i64, tpu.core_type = #tpu.core_type<sc_vector_subcore>, window_params = [{transform_indices = #map}, {transform_indices = #map}]} {
    %mul3A = arith.constant 2 : i32
    %mul3A_0 = arith.muli %arg1, %mul3A : i32
    %add3A = arith.addi %mul3A_0, %arg0 : i32
    %jit3A = arith.constant 4 : i32
    %div3A = arith.divsi %add3A, %jit3A : i32
    %sign3A = arith.constant 0 : i32
    %sign3A_1 = arith.cmpi sgt, %add3A, %sign3A : i32
    %sign3A_2 = arith.extui %sign3A_1 : i1 to i32
    %sign3A_3 = arith.constant 0 : i32
    %sign3A_4 = arith.cmpi slt, %add3A, %sign3A_3 : i32
    %sign3A_5 = arith.extui %sign3A_4 : i1 to i32
    %sign3A_6 = arith.subi %sign3A_2, %sign3A_5 : i32
    %sign3A_7 = arith.constant 0 : i32
    %sign3A_8 = arith.cmpi sgt, %jit3A, %sign3A_7 : i32
    %sign3A_9 = arith.extui %sign3A_8 : i1 to i32
    %sign3A_10 = arith.constant 0 : i32
    %sign3A_11 = arith.cmpi slt, %jit3A, %sign3A_10 : i32
    %sign3A_12 = arith.extui %sign3A_11 : i1 to i32
    %sign3A_13 = arith.subi %sign3A_9, %sign3A_12 : i32
    %ne3A = arith.cmpi ne, %sign3A_6, %sign3A_13 : i32
    %rem3A = arith.remsi %add3A, %jit3A : i32
    %ne3A_14 = arith.constant 0 : i32
    %ne3A_15 = arith.cmpi ne, %rem3A, %ne3A_14 : i32
    %and3A = arith.andi %ne3A, %ne3A_15 : i1
    %sub3A = arith.constant 1 : i32
    %sub3A_16 = arith.subi %div3A, %sub3A : i32
    %select_n3A = arith.select %and3A, %sub3A_16, %div3A : i32
    %mul3A_17 = arith.constant 128 : i32
    %mul3A_18 = arith.muli %select_n3A, %mul3A_17 : i32
    %jit3A_19 = arith.constant 4 : i32
    %eq3A = arith.constant 0 : i32
    %eq3A_20 = arith.cmpi eq, %jit3A_19, %eq3A : i32
    %jit3A_21 = arith.constant 1 : i32
    %select_n3A_22 = arith.select %eq3A_20, %jit3A_21, %jit3A_19 : i32
    %rem3A_23 = arith.remsi %add3A, %select_n3A_22 : i32
    %ne3A_24 = arith.constant 0 : i32
    %ne3A_25 = arith.cmpi ne, %rem3A_23, %ne3A_24 : i32
    %lt3A = arith.constant 0 : i32
    %lt3A_26 = arith.cmpi slt, %rem3A_23, %lt3A : i32
    %lt3A_27 = arith.constant 0 : i32
    %lt3A_28 = arith.cmpi slt, %select_n3A_22, %lt3A_27 : i32
    %ne3A_29 = arith.xori %lt3A_26, %lt3A_28 : i1
    %and3A_30 = arith.andi %ne3A_29, %ne3A_25 : i1
    %add3A_31 = arith.addi %rem3A_23, %select_n3A_22 : i32
    %select_n3A_32 = arith.select %and3A_30, %add3A_31, %rem3A_23 : i32
    %dma_start3A = arith.constant 0 : i32
    %dma_start3A_33 = tpu.memref_slice %arg2[%dma_start3A, %mul3A_18] : memref<50x1024xf32, #tpu.memory_space<hbm>> -> memref<50x128xf32, #tpu.memory_space<hbm>>
    %dma_start3A_34 = arith.constant 0 : i32
    %dma_start3A_35 = tpu.memref_slice %arg2[%dma_start3A_34, %mul3A_18] : memref<50x1024xf32, #tpu.memory_space<hbm>> -> memref<50x128xf32, #tpu.memory_space<hbm>>
    tpu.enqueue_dma source(%dma_start3A_35 : memref<50x128xf32, #tpu.memory_space<hbm>>) target(%arg4 : memref<50x128xf32, #tpu.memory_space<vmem>>) target_semaphore(%arg6 : memref<!tpu.dma_semaphore, #tpu.memory_space<semaphore_mem>>)
    %broadcast_in_dim3A = arith.constant 0.000000e+00 : f32
    %broadcast_in_dim3A_36 = vector.broadcast %broadcast_in_dim3A : f32 to vector<16xf32>
    %parallel_loop3A = arith.constant 0 : i32
    %parallel_loop3A_37 = arith.constant 256 : i32
    %parallel_loop3A_38 = arith.constant 4 : i32
    scf.for %parallel_loop3A_55 = %parallel_loop3A to %parallel_loop3A_37 step %parallel_loop3A_38  : i32 {
      %parallel_loop3A_56 = tpu.assume_multiple %parallel_loop3A_55, 4 : i32
      %parallel_loop3A_57 = arith.constant 0 : i32
      %parallel_loop3A_58 = arith.addi %parallel_loop3A_56, %parallel_loop3A_57 : i32
      %parallel_loop3A_59 = arith.index_cast %parallel_loop3A_58 : i32 to index
      %parallel_loop3A_60 = arith.constant 0 : index
      %parallel_loop3A_61 = tpu.vector_load %arg5[%parallel_loop3A_59, %parallel_loop3A_60] {strides = array<i32>} : memref<256x128xf32, #tpu.memory_space<vmem>>, vector<16xf32>,
      tpu.vector_store %arg5[%parallel_loop3A_59, %parallel_loop3A_60], %broadcast_in_dim3A_36 {strides = array<i32>} : memref<256x128xf32, #tpu.memory_space<vmem>>, vector<16xf32>,
      %parallel_loop3A_62 = arith.constant 0 : i32
      %parallel_loop3A_63 = arith.addi %parallel_loop3A_56, %parallel_loop3A_62 : i32
      %parallel_loop3A_64 = arith.index_cast %parallel_loop3A_63 : i32 to index
      %parallel_loop3A_65 = arith.constant 16 : index
      %parallel_loop3A_66 = tpu.vector_load %arg5[%parallel_loop3A_64, %parallel_loop3A_65] {strides = array<i32>} : memref<256x128xf32, #tpu.memory_space<vmem>>, vector<16xf32>,
      tpu.vector_store %arg5[%parallel_loop3A_64, %parallel_loop3A_65], %broadcast_in_dim3A_36 {strides = array<i32>} : memref<256x128xf32, #tpu.memory_space<vmem>>, vector<16xf32>,
      %parallel_loop3A_67 = arith.constant 0 : i32
      %parallel_loop3A_68 = arith.addi %parallel_loop3A_56, %parallel_loop3A_67 : i32
      %parallel_loop3A_69 = arith.index_cast %parallel_loop3A_68 : i32 to index
      %parallel_loop3A_70 = arith.constant 32 : index
      %parallel_loop3A_71 = tpu.vector_load %arg5[%parallel_loop3A_69, %parallel_loop3A_70] {strides = array<i32>} : memref<256x128xf32, #tpu.memory_space<vmem>>, vector<16xf32>,
      tpu.vector_store %arg5[%parallel_loop3A_69, %parallel_loop3A_70], %broadcast_in_dim3A_36 {strides = array<i32>} : memref<256x128xf32, #tpu.memory_space<vmem>>, vector<16xf32>,
      %parallel_loop3A_72 = arith.constant 0 : i32
      %parallel_loop3A_73 = arith.addi %parallel_loop3A_56, %parallel_loop3A_72 : i32
      %parallel_loop3A_74 = arith.index_cast %parallel_loop3A_73 : i32 to index
      %parallel_loop3A_75 = arith.constant 48 : index
      %parallel_loop3A_76 = tpu.vector_load %arg5[%parallel_loop3A_74, %parallel_loop3A_75] {strides = array<i32>} : memref<256x128xf32, #tpu.memory_space<vmem>>, vector<16xf32>,
      tpu.vector_store %arg5[%parallel_loop3A_74, %parallel_loop3A_75], %broadcast_in_dim3A_36 {strides = array<i32>} : memref<256x128xf32, #tpu.memory_space<vmem>>, vector<16xf32>,
      %parallel_loop3A_77 = arith.constant 0 : i32
      %parallel_loop3A_78 = arith.addi %parallel_loop3A_56, %parallel_loop3A_77 : i32
      %parallel_loop3A_79 = arith.index_cast %parallel_loop3A_78 : i32 to index
      %parallel_loop3A_80 = arith.constant 64 : index
      %parallel_loop3A_81 = tpu.vector_load %arg5[%parallel_loop3A_79, %parallel_loop3A_80] {strides = array<i32>} : memref<256x128xf32, #tpu.memory_space<vmem>>, vector<16xf32>,
      tpu.vector_store %arg5[%parallel_loop3A_79, %parallel_loop3A_80], %broadcast_in_dim3A_36 {strides = array<i32>} : memref<256x128xf32, #tpu.memory_space<vmem>>, vector<16xf32>,
      %parallel_loop3A_82 = arith.constant 0 : i32
      %parallel_loop3A_83 = arith.addi %parallel_loop3A_56, %parallel_loop3A_82 : i32
      %parallel_loop3A_84 = arith.index_cast %parallel_loop3A_83 : i32 to index
      %parallel_loop3A_85 = arith.constant 80 : index
      %parallel_loop3A_86 = tpu.vector_load %arg5[%parallel_loop3A_84, %parallel_loop3A_85] {strides = array<i32>} : memref<256x128xf32, #tpu.memory_space<vmem>>, vector<16xf32>,
      tpu.vector_store %arg5[%parallel_loop3A_84, %parallel_loop3A_85], %broadcast_in_dim3A_36 {strides = array<i32>} : memref<256x128xf32, #tpu.memory_space<vmem>>, vector<16xf32>,
      %parallel_loop3A_87 = arith.constant 0 : i32
      %parallel_loop3A_88 = arith.addi %parallel_loop3A_56, %parallel_loop3A_87 : i32
      %parallel_loop3A_89 = arith.index_cast %parallel_loop3A_88 : i32 to index
      %parallel_loop3A_90 = arith.constant 96 : index
      %parallel_loop3A_91 = tpu.vector_load %arg5[%parallel_loop3A_89, %parallel_loop3A_90] {strides = array<i32>} : memref<256x128xf32, #tpu.memory_space<vmem>>, vector<16xf32>,
      tpu.vector_store %arg5[%parallel_loop3A_89, %parallel_loop3A_90], %broadcast_in_dim3A_36 {strides = array<i32>} : memref<256x128xf32, #tpu.memory_space<vmem>>, vector<16xf32>,
      %parallel_loop3A_92 = arith.constant 0 : i32
      %parallel_loop3A_93 = arith.addi %parallel_loop3A_56, %parallel_loop3A_92 : i32
      %parallel_loop3A_94 = arith.index_cast %parallel_loop3A_93 : i32 to index
      %parallel_loop3A_95 = arith.constant 112 : index
      %parallel_loop3A_96 = tpu.vector_load %arg5[%parallel_loop3A_94, %parallel_loop3A_95] {strides = array<i32>} : memref<256x128xf32, #tpu.memory_space<vmem>>, vector<16xf32>,
      tpu.vector_store %arg5[%parallel_loop3A_94, %parallel_loop3A_95], %broadcast_in_dim3A_36 {strides = array<i32>} : memref<256x128xf32, #tpu.memory_space<vmem>>, vector<16xf32>,
      %parallel_loop3A_97 = arith.constant 1 : i32
      %parallel_loop3A_98 = arith.addi %parallel_loop3A_56, %parallel_loop3A_97 : i32
      %parallel_loop3A_99 = arith.index_cast %parallel_loop3A_98 : i32 to index
      %parallel_loop3A_100 = arith.constant 0 : index
      %parallel_loop3A_101 = tpu.vector_load %arg5[%parallel_loop3A_99, %parallel_loop3A_100] {strides = array<i32>} : memref<256x128xf32, #tpu.memory_space<vmem>>, vector<16xf32>,
      tpu.vector_store %arg5[%parallel_loop3A_99, %parallel_loop3A_100], %broadcast_in_dim3A_36 {strides = array<i32>} : memref<256x128xf32, #tpu.memory_space<vmem>>, vector<16xf32>,
      %parallel_loop3A_102 = arith.constant 1 : i32
      %parallel_loop3A_103 = arith.addi %parallel_loop3A_56, %parallel_loop3A_102 : i32
      %parallel_loop3A_104 = arith.index_cast %parallel_loop3A_103 : i32 to index
      %parallel_loop3A_105 = arith.constant 16 : index
      %parallel_loop3A_106 = tpu.vector_load %arg5[%parallel_loop3A_104, %parallel_loop3A_105] {strides = array<i32>} : memref<256x128xf32, #tpu.memory_space<vmem>>, vector<16xf32>,
      tpu.vector_store %arg5[%parallel_loop3A_104, %parallel_loop3A_105], %broadcast_in_dim3A_36 {strides = array<i32>} : memref<256x128xf32, #tpu.memory_space<vmem>>, vector<16xf32>,
      %parallel_loop3A_107 = arith.constant 1 : i32
      %parallel_loop3A_108 = arith.addi %parallel_loop3A_56, %parallel_loop3A_107 : i32
      %parallel_loop3A_109 = arith.index_cast %parallel_loop3A_108 : i32 to index
      %parallel_loop3A_110 = arith.constant 32 : index
      %parallel_loop3A_111 = tpu.vector_load %arg5[%parallel_loop3A_109, %parallel_loop3A_110] {strides = array<i32>} : memref<256x128xf32, #tpu.memory_space<vmem>>, vector<16xf32>,
      tpu.vector_store %arg5[%parallel_loop3A_109, %parallel_loop3A_110], %broadcast_in_dim3A_36 {strides = array<i32>} : memref<256x128xf32, #tpu.memory_space<vmem>>, vector<16xf32>,
      %parallel_loop3A_112 = arith.constant 1 : i32
      %parallel_loop3A_113 = arith.addi %parallel_loop3A_56, %parallel_loop3A_112 : i32
      %parallel_loop3A_114 = arith.index_cast %parallel_loop3A_113 : i32 to index
      %parallel_loop3A_115 = arith.constant 48 : index
      %parallel_loop3A_116 = tpu.vector_load %arg5[%parallel_loop3A_114, %parallel_loop3A_115] {strides = array<i32>} : memref<256x128xf32, #tpu.memory_space<vmem>>, vector<16xf32>,
      tpu.vector_store %arg5[%parallel_loop3A_114, %parallel_loop3A_115], %broadcast_in_dim3A_36 {strides = array<i32>} : memref<256x128xf32, #tpu.memory_space<vmem>>, vector<16xf32>,
      %parallel_loop3A_117 = arith.constant 1 : i32
      %parallel_loop3A_118 = arith.addi %parallel_loop3A_56, %parallel_loop3A_117 : i32
      %parallel_loop3A_119 = arith.index_cast %parallel_loop3A_118 : i32 to index
      %parallel_loop3A_120 = arith.constant 64 : index
      %parallel_loop3A_121 = tpu.vector_load %arg5[%parallel_loop3A_119, %parallel_loop3A_120] {strides = array<i32>} : memref<256x128xf32, #tpu.memory_space<vmem>>, vector<16xf32>,
      tpu.vector_store %arg5[%parallel_loop3A_119, %parallel_loop3A_120], %broadcast_in_dim3A_36 {strides = array<i32>} : memref<256x128xf32, #tpu.memory_space<vmem>>, vector<16xf32>,
      %parallel_loop3A_122 = arith.constant 1 : i32
      %parallel_loop3A_123 = arith.addi %parallel_loop3A_56, %parallel_loop3A_122 : i32
      %parallel_loop3A_124 = arith.index_cast %parallel_loop3A_123 : i32 to index
      %parallel_loop3A_125 = arith.constant 80 : index
      %parallel_loop3A_126 = tpu.vector_load %arg5[%parallel_loop3A_124, %parallel_loop3A_125] {strides = array<i32>} : memref<256x128xf32, #tpu.memory_space<vmem>>, vector<16xf32>,
      tpu.vector_store %arg5[%parallel_loop3A_124, %parallel_loop3A_125], %broadcast_in_dim3A_36 {strides = array<i32>} : memref<256x128xf32, #tpu.memory_space<vmem>>, vector<16xf32>,
      %parallel_loop3A_127 = arith.constant 1 : i32
      %parallel_loop3A_128 = arith.addi %parallel_loop3A_56, %parallel_loop3A_127 : i32
      %parallel_loop3A_129 = arith.index_cast %parallel_loop3A_128 : i32 to index
      %parallel_loop3A_130 = arith.constant 96 : index
      %parallel_loop3A_131 = tpu.vector_load %arg5[%parallel_loop3A_129, %parallel_loop3A_130] {strides = array<i32>} : memref<256x128xf32, #tpu.memory_space<vmem>>, vector<16xf32>,
      tpu.vector_store %arg5[%parallel_loop3A_129, %parallel_loop3A_130], %broadcast_in_dim3A_36 {strides = array<i32>} : memref<256x128xf32, #tpu.memory_space<vmem>>, vector<16xf32>,
      %parallel_loop3A_132 = arith.constant 1 : i32
      %parallel_loop3A_133 = arith.addi %parallel_loop3A_56, %parallel_loop3A_132 : i32
      %parallel_loop3A_134 = arith.index_cast %parallel_loop3A_133 : i32 to index
      %parallel_loop3A_135 = arith.constant 112 : index
      %parallel_loop3A_136 = tpu.vector_load %arg5[%parallel_loop3A_134, %parallel_loop3A_135] {strides = array<i32>} : memref<256x128xf32, #tpu.memory_space<vmem>>, vector<16xf32>,
      tpu.vector_store %arg5[%parallel_loop3A_134, %parallel_loop3A_135], %broadcast_in_dim3A_36 {strides = array<i32>} : memref<256x128xf32, #tpu.memory_space<vmem>>, vector<16xf32>,
      %parallel_loop3A_137 = arith.constant 2 : i32
      %parallel_loop3A_138 = arith.addi %parallel_loop3A_56, %parallel_loop3A_137 : i32
      %parallel_loop3A_139 = arith.index_cast %parallel_loop3A_138 : i32 to index
      %parallel_loop3A_140 = arith.constant 0 : index
      %parallel_loop3A_141 = tpu.vector_load %arg5[%parallel_loop3A_139, %parallel_loop3A_140] {strides = array<i32>} : memref<256x128xf32, #tpu.memory_space<vmem>>, vector<16xf32>,
      tpu.vector_store %arg5[%parallel_loop3A_139, %parallel_loop3A_140], %broadcast_in_dim3A_36 {strides = array<i32>} : memref<256x128xf32, #tpu.memory_space<vmem>>, vector<16xf32>,
      %parallel_loop3A_142 = arith.constant 2 : i32
      %parallel_loop3A_143 = arith.addi %parallel_loop3A_56, %parallel_loop3A_142 : i32
      %parallel_loop3A_144 = arith.index_cast %parallel_loop3A_143 : i32 to index
      %parallel_loop3A_145 = arith.constant 16 : index
      %parallel_loop3A_146 = tpu.vector_load %arg5[%parallel_loop3A_144, %parallel_loop3A_145] {strides = array<i32>} : memref<256x128xf32, #tpu.memory_space<vmem>>, vector<16xf32>,
      tpu.vector_store %arg5[%parallel_loop3A_144, %parallel_loop3A_145], %broadcast_in_dim3A_36 {strides = array<i32>} : memref<256x128xf32, #tpu.memory_space<vmem>>, vector<16xf32>,
      %parallel_loop3A_147 = arith.constant 2 : i32
      %parallel_loop3A_148 = arith.addi %parallel_loop3A_56, %parallel_loop3A_147 : i32
      %parallel_loop3A_149 = arith.index_cast %parallel_loop3A_148 : i32 to index
      %parallel_loop3A_150 = arith.constant 32 : index
      %parallel_loop3A_151 = tpu.vector_load %arg5[%parallel_loop3A_149, %parallel_loop3A_150] {strides = array<i32>} : memref<256x128xf32, #tpu.memory_space<vmem>>, vector<16xf32>,
      tpu.vector_store %arg5[%parallel_loop3A_149, %parallel_loop3A_150], %broadcast_in_dim3A_36 {strides = array<i32>} : memref<256x128xf32, #tpu.memory_space<vmem>>, vector<16xf32>,
      %parallel_loop3A_152 = arith.constant 2 : i32
      %parallel_loop3A_153 = arith.addi %parallel_loop3A_56, %parallel_loop3A_152 : i32
      %parallel_loop3A_154 = arith.index_cast %parallel_loop3A_153 : i32 to index
      %parallel_loop3A_155 = arith.constant 48 : index
      %parallel_loop3A_156 = tpu.vector_load %arg5[%parallel_loop3A_154, %parallel_loop3A_155] {strides = array<i32>} : memref<256x128xf32, #tpu.memory_space<vmem>>, vector<16xf32>,
      tpu.vector_store %arg5[%parallel_loop3A_154, %parallel_loop3A_155], %broadcast_in_dim3A_36 {strides = array<i32>} : memref<256x128xf32, #tpu.memory_space<vmem>>, vector<16xf32>,
      %parallel_loop3A_157 = arith.constant 2 : i32
      %parallel_loop3A_158 = arith.addi %parallel_loop3A_56, %parallel_loop3A_157 : i32
      %parallel_loop3A_159 = arith.index_cast %parallel_loop3A_158 : i32 to index
      %parallel_loop3A_160 = arith.constant 64 : index
      %parallel_loop3A_161 = tpu.vector_load %arg5[%parallel_loop3A_159, %parallel_loop3A_160] {strides = array<i32>} : memref<256x128xf32, #tpu.memory_space<vmem>>, vector<16xf32>,
      tpu.vector_store %arg5[%parallel_loop3A_159, %parallel_loop3A_160], %broadcast_in_dim3A_36 {strides = array<i32>} : memref<256x128xf32, #tpu.memory_space<vmem>>, vector<16xf32>,
      %parallel_loop3A_162 = arith.constant 2 : i32
      %parallel_loop3A_163 = arith.addi %parallel_loop3A_56, %parallel_loop3A_162 : i32
      %parallel_loop3A_164 = arith.index_cast %parallel_loop3A_163 : i32 to index
      %parallel_loop3A_165 = arith.constant 80 : index
      %parallel_loop3A_166 = tpu.vector_load %arg5[%parallel_loop3A_164, %parallel_loop3A_165] {strides = array<i32>} : memref<256x128xf32, #tpu.memory_space<vmem>>, vector<16xf32>,
      tpu.vector_store %arg5[%parallel_loop3A_164, %parallel_loop3A_165], %broadcast_in_dim3A_36 {strides = array<i32>} : memref<256x128xf32, #tpu.memory_space<vmem>>, vector<16xf32>,
      %parallel_loop3A_167 = arith.constant 2 : i32
      %parallel_loop3A_168 = arith.addi %parallel_loop3A_56, %parallel_loop3A_167 : i32
      %parallel_loop3A_169 = arith.index_cast %parallel_loop3A_168 : i32 to index
      %parallel_loop3A_170 = arith.constant 96 : index
      %parallel_loop3A_171 = tpu.vector_load %arg5[%parallel_loop3A_169, %parallel_loop3A_170] {strides = array<i32>} : memref<256x128xf32, #tpu.memory_space<vmem>>, vector<16xf32>,
      tpu.vector_store %arg5[%parallel_loop3A_169, %parallel_loop3A_170], %broadcast_in_dim3A_36 {strides = array<i32>} : memref<256x128xf32, #tpu.memory_space<vmem>>, vector<16xf32>,
      %parallel_loop3A_172 = arith.constant 2 : i32
      %parallel_loop3A_173 = arith.addi %parallel_loop3A_56, %parallel_loop3A_172 : i32
      %parallel_loop3A_174 = arith.index_cast %parallel_loop3A_173 : i32 to index
      %parallel_loop3A_175 = arith.constant 112 : index
      %parallel_loop3A_176 = tpu.vector_load %arg5[%parallel_loop3A_174, %parallel_loop3A_175] {strides = array<i32>} : memref<256x128xf32, #tpu.memory_space<vmem>>, vector<16xf32>,
      tpu.vector_store %arg5[%parallel_loop3A_174, %parallel_loop3A_175], %broadcast_in_dim3A_36 {strides = array<i32>} : memref<256x128xf32, #tpu.memory_space<vmem>>, vector<16xf32>,
      %parallel_loop3A_177 = arith.constant 3 : i32
      %parallel_loop3A_178 = arith.addi %parallel_loop3A_56, %parallel_loop3A_177 : i32
      %parallel_loop3A_179 = arith.index_cast %parallel_loop3A_178 : i32 to index
      %parallel_loop3A_180 = arith.constant 0 : index
      %parallel_loop3A_181 = tpu.vector_load %arg5[%parallel_loop3A_179, %parallel_loop3A_180] {strides = array<i32>} : memref<256x128xf32, #tpu.memory_space<vmem>>, vector<16xf32>,
      tpu.vector_store %arg5[%parallel_loop3A_179, %parallel_loop3A_180], %broadcast_in_dim3A_36 {strides = array<i32>} : memref<256x128xf32, #tpu.memory_space<vmem>>, vector<16xf32>,
      %parallel_loop3A_182 = arith.constant 3 : i32
      %parallel_loop3A_183 = arith.addi %parallel_loop3A_56, %parallel_loop3A_182 : i32
      %parallel_loop3A_184 = arith.index_cast %parallel_loop3A_183 : i32 to index
      %parallel_loop3A_185 = arith.constant 16 : index
      %parallel_loop3A_186 = tpu.vector_load %arg5[%parallel_loop3A_184, %parallel_loop3A_185] {strides = array<i32>} : memref<256x128xf32, #tpu.memory_space<vmem>>, vector<16xf32>,
      tpu.vector_store %arg5[%parallel_loop3A_184, %parallel_loop3A_185], %broadcast_in_dim3A_36 {strides = array<i32>} : memref<256x128xf32, #tpu.memory_space<vmem>>, vector<16xf32>,
      %parallel_loop3A_187 = arith.constant 3 : i32
      %parallel_loop3A_188 = arith.addi %parallel_loop3A_56, %parallel_loop3A_187 : i32
      %parallel_loop3A_189 = arith.index_cast %parallel_loop3A_188 : i32 to index
      %parallel_loop3A_190 = arith.constant 32 : index
      %parallel_loop3A_191 = tpu.vector_load %arg5[%parallel_loop3A_189, %parallel_loop3A_190] {strides = array<i32>} : memref<256x128xf32, #tpu.memory_space<vmem>>, vector<16xf32>,
      tpu.vector_store %arg5[%parallel_loop3A_189, %parallel_loop3A_190], %broadcast_in_dim3A_36 {strides = array<i32>} : memref<256x128xf32, #tpu.memory_space<vmem>>, vector<16xf32>,
      %parallel_loop3A_192 = arith.constant 3 : i32
      %parallel_loop3A_193 = arith.addi %parallel_loop3A_56, %parallel_loop3A_192 : i32
      %parallel_loop3A_194 = arith.index_cast %parallel_loop3A_193 : i32 to index
      %parallel_loop3A_195 = arith.constant 48 : index
      %parallel_loop3A_196 = tpu.vector_load %arg5[%parallel_loop3A_194, %parallel_loop3A_195] {strides = array<i32>} : memref<256x128xf32, #tpu.memory_space<vmem>>, vector<16xf32>,
      tpu.vector_store %arg5[%parallel_loop3A_194, %parallel_loop3A_195], %broadcast_in_dim3A_36 {strides = array<i32>} : memref<256x128xf32, #tpu.memory_space<vmem>>, vector<16xf32>,
      %parallel_loop3A_197 = arith.constant 3 : i32
      %parallel_loop3A_198 = arith.addi %parallel_loop3A_56, %parallel_loop3A_197 : i32
      %parallel_loop3A_199 = arith.index_cast %parallel_loop3A_198 : i32 to index
      %parallel_loop3A_200 = arith.constant 64 : index
      %parallel_loop3A_201 = tpu.vector_load %arg5[%parallel_loop3A_199, %parallel_loop3A_200] {strides = array<i32>} : memref<256x128xf32, #tpu.memory_space<vmem>>, vector<16xf32>,
      tpu.vector_store %arg5[%parallel_loop3A_199, %parallel_loop3A_200], %broadcast_in_dim3A_36 {strides = array<i32>} : memref<256x128xf32, #tpu.memory_space<vmem>>, vector<16xf32>,
      %parallel_loop3A_202 = arith.constant 3 : i32
      %parallel_loop3A_203 = arith.addi %parallel_loop3A_56, %parallel_loop3A_202 : i32
      %parallel_loop3A_204 = arith.index_cast %parallel_loop3A_203 : i32 to index
      %parallel_loop3A_205 = arith.constant 80 : index
      %parallel_loop3A_206 = tpu.vector_load %arg5[%parallel_loop3A_204, %parallel_loop3A_205] {strides = array<i32>} : memref<256x128xf32, #tpu.memory_space<vmem>>, vector<16xf32>,
      tpu.vector_store %arg5[%parallel_loop3A_204, %parallel_loop3A_205], %broadcast_in_dim3A_36 {strides = array<i32>} : memref<256x128xf32, #tpu.memory_space<vmem>>, vector<16xf32>,
      %parallel_loop3A_207 = arith.constant 3 : i32
      %parallel_loop3A_208 = arith.addi %parallel_loop3A_56, %parallel_loop3A_207 : i32
      %parallel_loop3A_209 = arith.index_cast %parallel_loop3A_208 : i32 to index
      %parallel_loop3A_210 = arith.constant 96 : index
      %parallel_loop3A_211 = tpu.vector_load %arg5[%parallel_loop3A_209, %parallel_loop3A_210] {strides = array<i32>} : memref<256x128xf32, #tpu.memory_space<vmem>>, vector<16xf32>,
      tpu.vector_store %arg5[%parallel_loop3A_209, %parallel_loop3A_210], %broadcast_in_dim3A_36 {strides = array<i32>} : memref<256x128xf32, #tpu.memory_space<vmem>>, vector<16xf32>,
      %parallel_loop3A_212 = arith.constant 3 : i32
      %parallel_loop3A_213 = arith.addi %parallel_loop3A_56, %parallel_loop3A_212 : i32
      %parallel_loop3A_214 = arith.index_cast %parallel_loop3A_213 : i32 to index
      %parallel_loop3A_215 = arith.constant 112 : index
      %parallel_loop3A_216 = tpu.vector_load %arg5[%parallel_loop3A_214, %parallel_loop3A_215] {strides = array<i32>} : memref<256x128xf32, #tpu.memory_space<vmem>>, vector<16xf32>,
      tpu.vector_store %arg5[%parallel_loop3A_214, %parallel_loop3A_215], %broadcast_in_dim3A_36 {strides = array<i32>} : memref<256x128xf32, #tpu.memory_space<vmem>>, vector<16xf32>,
    } {sc.loop_unroll_factor = 1 : i64, sc.parallel_access}
    %dma_wait3A = arith.constant 0 : i32
    %dma_wait3A_39 = tpu.memref_slice %arg2[%dma_wait3A, %mul3A_18] : memref<50x1024xf32, #tpu.memory_space<hbm>> -> memref<50x128xf32, #tpu.memory_space<hbm>>
    %dma_wait3A_40 = arith.constant 0 : i32
    %dma_wait3A_41 = tpu.memref_slice %arg2[%dma_wait3A_40, %mul3A_18] : memref<50x1024xf32, #tpu.memory_space<hbm>> -> memref<50x128xf32, #tpu.memory_space<hbm>>
    tpu.wait_dma2 semaphore(%arg6 : memref<!tpu.dma_semaphore, #tpu.memory_space<semaphore_mem>>) src(%dma_wait3A_41 : memref<50x128xf32, #tpu.memory_space<hbm>>) dst(%arg4 : memref<50x128xf32, #tpu.memory_space<vmem>>)
    %iota3A = tpu.iota {dimensions = array<i32: 0>} : vector<16xi32>
    %broadcast_in_dim3A_42 = arith.constant 1.000000e+00 : f32
    %broadcast_in_dim3A_43 = vector.broadcast %broadcast_in_dim3A_42 : f32 to vector<16xf32>
    %parallel_loop3A_44 = arith.constant 0 : i32
    %parallel_loop3A_45 = arith.constant 50 : i32
    %parallel_loop3A_46 = arith.constant 1 : i32
    scf.for %parallel_loop3A_55 = %parallel_loop3A_44 to %parallel_loop3A_45 step %parallel_loop3A_46  : i32 {
      %parallel_loop3A_56 = arith.constant 0 : i32
      %parallel_loop3A_57 = vector.broadcast %parallel_loop3A_56 : i32 to vector<16xi32>
      %parallel_loop3A_58 = arith.addi %iota3A, %parallel_loop3A_57 : vector<16xi32>
      %parallel_loop3A_59 = arith.index_cast %parallel_loop3A_55 : i32 to index
      %parallel_loop3A_60 = arith.constant 0 : index
      %parallel_loop3A_61 = tpu.vector_load %arg4[%parallel_loop3A_59, %parallel_loop3A_60] {strides = array<i32>} : memref<50x128xf32, #tpu.memory_space<vmem>>, vector<16xf32>,
      %parallel_loop3A_62 = arith.fptosi %parallel_loop3A_61 : vector<16xf32> to vector<16xi32>
      %parallel_loop3A_63 = arith.constant 8 : i32
      %parallel_loop3A_64 = vector.broadcast %parallel_loop3A_63 : i32 to vector<16xi32>
      %parallel_loop3A_65 = arith.shrui %parallel_loop3A_62, %parallel_loop3A_64 : vector<16xi32>
      %parallel_loop3A_66 = vector.broadcast %select_n3A_32 : i32 to vector<16xi32>
      %parallel_loop3A_67 = arith.cmpi eq, %parallel_loop3A_65, %parallel_loop3A_66 : vector<16xi32>
      %parallel_loop3A_68 = arith.constant 255 : i32
      %parallel_loop3A_69 = vector.broadcast %parallel_loop3A_68 : i32 to vector<16xi32>
      %parallel_loop3A_70 = arith.andi %parallel_loop3A_62, %parallel_loop3A_69 : vector<16xi32>
      tpu.vector_store_idx %arg5[%parallel_loop3A_70, %parallel_loop3A_58], %broadcast_in_dim3A_43 masked %parallel_loop3A_67 {add = true} : memref<256x128xf32, #tpu.memory_space<vmem>>[vector<16xi32>, vector<16xi32>], vector<16xf32>, vector<16xi1>
      %parallel_loop3A_71 = arith.constant 16 : i32
      %parallel_loop3A_72 = vector.broadcast %parallel_loop3A_71 : i32 to vector<16xi32>
      %parallel_loop3A_73 = arith.addi %iota3A, %parallel_loop3A_72 : vector<16xi32>
      %parallel_loop3A_74 = arith.index_cast %parallel_loop3A_55 : i32 to index
      %parallel_loop3A_75 = arith.constant 16 : index
      %parallel_loop3A_76 = tpu.vector_load %arg4[%parallel_loop3A_74, %parallel_loop3A_75] {strides = array<i32>} : memref<50x128xf32, #tpu.memory_space<vmem>>, vector<16xf32>,
      %parallel_loop3A_77 = arith.fptosi %parallel_loop3A_76 : vector<16xf32> to vector<16xi32>
      %parallel_loop3A_78 = arith.constant 8 : i32
      %parallel_loop3A_79 = vector.broadcast %parallel_loop3A_78 : i32 to vector<16xi32>
      %parallel_loop3A_80 = arith.shrui %parallel_loop3A_77, %parallel_loop3A_79 : vector<16xi32>
      %parallel_loop3A_81 = vector.broadcast %select_n3A_32 : i32 to vector<16xi32>
      %parallel_loop3A_82 = arith.cmpi eq, %parallel_loop3A_80, %parallel_loop3A_81 : vector<16xi32>
      %parallel_loop3A_83 = arith.constant 255 : i32
      %parallel_loop3A_84 = vector.broadcast %parallel_loop3A_83 : i32 to vector<16xi32>
      %parallel_loop3A_85 = arith.andi %parallel_loop3A_77, %parallel_loop3A_84 : vector<16xi32>
      tpu.vector_store_idx %arg5[%parallel_loop3A_85, %parallel_loop3A_73], %broadcast_in_dim3A_43 masked %parallel_loop3A_82 {add = true} : memref<256x128xf32, #tpu.memory_space<vmem>>[vector<16xi32>, vector<16xi32>], vector<16xf32>, vector<16xi1>
      %parallel_loop3A_86 = arith.constant 32 : i32
      %parallel_loop3A_87 = vector.broadcast %parallel_loop3A_86 : i32 to vector<16xi32>
      %parallel_loop3A_88 = arith.addi %iota3A, %parallel_loop3A_87 : vector<16xi32>
      %parallel_loop3A_89 = arith.index_cast %parallel_loop3A_55 : i32 to index
      %parallel_loop3A_90 = arith.constant 32 : index
      %parallel_loop3A_91 = tpu.vector_load %arg4[%parallel_loop3A_89, %parallel_loop3A_90] {strides = array<i32>} : memref<50x128xf32, #tpu.memory_space<vmem>>, vector<16xf32>,
      %parallel_loop3A_92 = arith.fptosi %parallel_loop3A_91 : vector<16xf32> to vector<16xi32>
      %parallel_loop3A_93 = arith.constant 8 : i32
      %parallel_loop3A_94 = vector.broadcast %parallel_loop3A_93 : i32 to vector<16xi32>
      %parallel_loop3A_95 = arith.shrui %parallel_loop3A_92, %parallel_loop3A_94 : vector<16xi32>
      %parallel_loop3A_96 = vector.broadcast %select_n3A_32 : i32 to vector<16xi32>
      %parallel_loop3A_97 = arith.cmpi eq, %parallel_loop3A_95, %parallel_loop3A_96 : vector<16xi32>
      %parallel_loop3A_98 = arith.constant 255 : i32
      %parallel_loop3A_99 = vector.broadcast %parallel_loop3A_98 : i32 to vector<16xi32>
      %parallel_loop3A_100 = arith.andi %parallel_loop3A_92, %parallel_loop3A_99 : vector<16xi32>
      tpu.vector_store_idx %arg5[%parallel_loop3A_100, %parallel_loop3A_88], %broadcast_in_dim3A_43 masked %parallel_loop3A_97 {add = true} : memref<256x128xf32, #tpu.memory_space<vmem>>[vector<16xi32>, vector<16xi32>], vector<16xf32>, vector<16xi1>
      %parallel_loop3A_101 = arith.constant 48 : i32
      %parallel_loop3A_102 = vector.broadcast %parallel_loop3A_101 : i32 to vector<16xi32>
      %parallel_loop3A_103 = arith.addi %iota3A, %parallel_loop3A_102 : vector<16xi32>
      %parallel_loop3A_104 = arith.index_cast %parallel_loop3A_55 : i32 to index
      %parallel_loop3A_105 = arith.constant 48 : index
      %parallel_loop3A_106 = tpu.vector_load %arg4[%parallel_loop3A_104, %parallel_loop3A_105] {strides = array<i32>} : memref<50x128xf32, #tpu.memory_space<vmem>>, vector<16xf32>,
      %parallel_loop3A_107 = arith.fptosi %parallel_loop3A_106 : vector<16xf32> to vector<16xi32>
      %parallel_loop3A_108 = arith.constant 8 : i32
      %parallel_loop3A_109 = vector.broadcast %parallel_loop3A_108 : i32 to vector<16xi32>
      %parallel_loop3A_110 = arith.shrui %parallel_loop3A_107, %parallel_loop3A_109 : vector<16xi32>
      %parallel_loop3A_111 = vector.broadcast %select_n3A_32 : i32 to vector<16xi32>
      %parallel_loop3A_112 = arith.cmpi eq, %parallel_loop3A_110, %parallel_loop3A_111 : vector<16xi32>
      %parallel_loop3A_113 = arith.constant 255 : i32
      %parallel_loop3A_114 = vector.broadcast %parallel_loop3A_113 : i32 to vector<16xi32>
      %parallel_loop3A_115 = arith.andi %parallel_loop3A_107, %parallel_loop3A_114 : vector<16xi32>
      tpu.vector_store_idx %arg5[%parallel_loop3A_115, %parallel_loop3A_103], %broadcast_in_dim3A_43 masked %parallel_loop3A_112 {add = true} : memref<256x128xf32, #tpu.memory_space<vmem>>[vector<16xi32>, vector<16xi32>], vector<16xf32>, vector<16xi1>
      %parallel_loop3A_116 = arith.constant 64 : i32
      %parallel_loop3A_117 = vector.broadcast %parallel_loop3A_116 : i32 to vector<16xi32>
      %parallel_loop3A_118 = arith.addi %iota3A, %parallel_loop3A_117 : vector<16xi32>
      %parallel_loop3A_119 = arith.index_cast %parallel_loop3A_55 : i32 to index
      %parallel_loop3A_120 = arith.constant 64 : index
      %parallel_loop3A_121 = tpu.vector_load %arg4[%parallel_loop3A_119, %parallel_loop3A_120] {strides = array<i32>} : memref<50x128xf32, #tpu.memory_space<vmem>>, vector<16xf32>,
      %parallel_loop3A_122 = arith.fptosi %parallel_loop3A_121 : vector<16xf32> to vector<16xi32>
      %parallel_loop3A_123 = arith.constant 8 : i32
      %parallel_loop3A_124 = vector.broadcast %parallel_loop3A_123 : i32 to vector<16xi32>
      %parallel_loop3A_125 = arith.shrui %parallel_loop3A_122, %parallel_loop3A_124 : vector<16xi32>
      %parallel_loop3A_126 = vector.broadcast %select_n3A_32 : i32 to vector<16xi32>
      %parallel_loop3A_127 = arith.cmpi eq, %parallel_loop3A_125, %parallel_loop3A_126 : vector<16xi32>
      %parallel_loop3A_128 = arith.constant 255 : i32
      %parallel_loop3A_129 = vector.broadcast %parallel_loop3A_128 : i32 to vector<16xi32>
      %parallel_loop3A_130 = arith.andi %parallel_loop3A_122, %parallel_loop3A_129 : vector<16xi32>
      tpu.vector_store_idx %arg5[%parallel_loop3A_130, %parallel_loop3A_118], %broadcast_in_dim3A_43 masked %parallel_loop3A_127 {add = true} : memref<256x128xf32, #tpu.memory_space<vmem>>[vector<16xi32>, vector<16xi32>], vector<16xf32>, vector<16xi1>
      %parallel_loop3A_131 = arith.constant 80 : i32
      %parallel_loop3A_132 = vector.broadcast %parallel_loop3A_131 : i32 to vector<16xi32>
      %parallel_loop3A_133 = arith.addi %iota3A, %parallel_loop3A_132 : vector<16xi32>
      %parallel_loop3A_134 = arith.index_cast %parallel_loop3A_55 : i32 to index
      %parallel_loop3A_135 = arith.constant 80 : index
      %parallel_loop3A_136 = tpu.vector_load %arg4[%parallel_loop3A_134, %parallel_loop3A_135] {strides = array<i32>} : memref<50x128xf32, #tpu.memory_space<vmem>>, vector<16xf32>,
      %parallel_loop3A_137 = arith.fptosi %parallel_loop3A_136 : vector<16xf32> to vector<16xi32>
      %parallel_loop3A_138 = arith.constant 8 : i32
      %parallel_loop3A_139 = vector.broadcast %parallel_loop3A_138 : i32 to vector<16xi32>
      %parallel_loop3A_140 = arith.shrui %parallel_loop3A_137, %parallel_loop3A_139 : vector<16xi32>
      %parallel_loop3A_141 = vector.broadcast %select_n3A_32 : i32 to vector<16xi32>
      %parallel_loop3A_142 = arith.cmpi eq, %parallel_loop3A_140, %parallel_loop3A_141 : vector<16xi32>
      %parallel_loop3A_143 = arith.constant 255 : i32
      %parallel_loop3A_144 = vector.broadcast %parallel_loop3A_143 : i32 to vector<16xi32>
      %parallel_loop3A_145 = arith.andi %parallel_loop3A_137, %parallel_loop3A_144 : vector<16xi32>
      tpu.vector_store_idx %arg5[%parallel_loop3A_145, %parallel_loop3A_133], %broadcast_in_dim3A_43 masked %parallel_loop3A_142 {add = true} : memref<256x128xf32, #tpu.memory_space<vmem>>[vector<16xi32>, vector<16xi32>], vector<16xf32>, vector<16xi1>
      %parallel_loop3A_146 = arith.constant 96 : i32
      %parallel_loop3A_147 = vector.broadcast %parallel_loop3A_146 : i32 to vector<16xi32>
      %parallel_loop3A_148 = arith.addi %iota3A, %parallel_loop3A_147 : vector<16xi32>
      %parallel_loop3A_149 = arith.index_cast %parallel_loop3A_55 : i32 to index
      %parallel_loop3A_150 = arith.constant 96 : index
      %parallel_loop3A_151 = tpu.vector_load %arg4[%parallel_loop3A_149, %parallel_loop3A_150] {strides = array<i32>} : memref<50x128xf32, #tpu.memory_space<vmem>>, vector<16xf32>,
      %parallel_loop3A_152 = arith.fptosi %parallel_loop3A_151 : vector<16xf32> to vector<16xi32>
      %parallel_loop3A_153 = arith.constant 8 : i32
      %parallel_loop3A_154 = vector.broadcast %parallel_loop3A_153 : i32 to vector<16xi32>
      %parallel_loop3A_155 = arith.shrui %parallel_loop3A_152, %parallel_loop3A_154 : vector<16xi32>
      %parallel_loop3A_156 = vector.broadcast %select_n3A_32 : i32 to vector<16xi32>
      %parallel_loop3A_157 = arith.cmpi eq, %parallel_loop3A_155, %parallel_loop3A_156 : vector<16xi32>
      %parallel_loop3A_158 = arith.constant 255 : i32
      %parallel_loop3A_159 = vector.broadcast %parallel_loop3A_158 : i32 to vector<16xi32>
      %parallel_loop3A_160 = arith.andi %parallel_loop3A_152, %parallel_loop3A_159 : vector<16xi32>
      tpu.vector_store_idx %arg5[%parallel_loop3A_160, %parallel_loop3A_148], %broadcast_in_dim3A_43 masked %parallel_loop3A_157 {add = true} : memref<256x128xf32, #tpu.memory_space<vmem>>[vector<16xi32>, vector<16xi32>], vector<16xf32>, vector<16xi1>
      %parallel_loop3A_161 = arith.constant 112 : i32
      %parallel_loop3A_162 = vector.broadcast %parallel_loop3A_161 : i32 to vector<16xi32>
      %parallel_loop3A_163 = arith.addi %iota3A, %parallel_loop3A_162 : vector<16xi32>
      %parallel_loop3A_164 = arith.index_cast %parallel_loop3A_55 : i32 to index
      %parallel_loop3A_165 = arith.constant 112 : index
      %parallel_loop3A_166 = tpu.vector_load %arg4[%parallel_loop3A_164, %parallel_loop3A_165] {strides = array<i32>} : memref<50x128xf32, #tpu.memory_space<vmem>>, vector<16xf32>,
      %parallel_loop3A_167 = arith.fptosi %parallel_loop3A_166 : vector<16xf32> to vector<16xi32>
      %parallel_loop3A_168 = arith.constant 8 : i32
      %parallel_loop3A_169 = vector.broadcast %parallel_loop3A_168 : i32 to vector<16xi32>
      %parallel_loop3A_170 = arith.shrui %parallel_loop3A_167, %parallel_loop3A_169 : vector<16xi32>
      %parallel_loop3A_171 = vector.broadcast %select_n3A_32 : i32 to vector<16xi32>
      %parallel_loop3A_172 = arith.cmpi eq, %parallel_loop3A_170, %parallel_loop3A_171 : vector<16xi32>
      %parallel_loop3A_173 = arith.constant 255 : i32
      %parallel_loop3A_174 = vector.broadcast %parallel_loop3A_173 : i32 to vector<16xi32>
      %parallel_loop3A_175 = arith.andi %parallel_loop3A_167, %parallel_loop3A_174 : vector<16xi32>
      tpu.vector_store_idx %arg5[%parallel_loop3A_175, %parallel_loop3A_163], %broadcast_in_dim3A_43 masked %parallel_loop3A_172 {add = true} : memref<256x128xf32, #tpu.memory_space<vmem>>[vector<16xi32>, vector<16xi32>], vector<16xf32>, vector<16xi1>
    } {sc.loop_unroll_factor = 2 : i64, sc.parallel_access}
    %lt3A_47 = arith.constant 3 : i32
    %lt3A_48 = arith.cmpi slt, %select_n3A_32, %lt3A_47 : i32
    %convert_element_type3A = arith.extui %lt3A_48 : i1 to i32
    %cond3A = arith.constant 0 : i32
    %cond3A_49 = arith.cmpi ne, %convert_element_type3A, %cond3A : i32
    scf.if %cond3A_49 {
      %mul3A_55 = arith.constant 256 : i32
      %mul3A_56 = arith.muli %select_n3A_32, %mul3A_55 : i32
      "tpu.region"() ({
        %run_scoped3A = tpu.sem_alloc : memref<!tpu.dma_semaphore, #tpu.memory_space<semaphore_mem>>
        %dma_start3A_57 = tpu.memref_slice %arg3[%mul3A_56, %mul3A_18] : memref<1000x1024xf32, #tpu.memory_space<hbm>> -> memref<256x128xf32, #tpu.memory_space<hbm>>
        %dma_start3A_58 = tpu.memref_slice %arg3[%mul3A_56, %mul3A_18] : memref<1000x1024xf32, #tpu.memory_space<hbm>> -> memref<256x128xf32, #tpu.memory_space<hbm>>
        tpu.enqueue_dma source(%arg5 : memref<256x128xf32, #tpu.memory_space<vmem>>) target(%dma_start3A_58 : memref<256x128xf32, #tpu.memory_space<hbm>>) target_semaphore(%run_scoped3A : memref<!tpu.dma_semaphore, #tpu.memory_space<semaphore_mem>>)
        %dma_wait3A_59 = tpu.memref_slice %arg3[%mul3A_56, %mul3A_18] : memref<1000x1024xf32, #tpu.memory_space<hbm>> -> memref<256x128xf32, #tpu.memory_space<hbm>>
        %dma_wait3A_60 = tpu.memref_slice %arg3[%mul3A_56, %mul3A_18] : memref<1000x1024xf32, #tpu.memory_space<hbm>> -> memref<256x128xf32, #tpu.memory_space<hbm>>
        tpu.wait_dma2 semaphore(%run_scoped3A : memref<!tpu.dma_semaphore, #tpu.memory_space<semaphore_mem>>) src(%arg5 : memref<256x128xf32, #tpu.memory_space<vmem>>) dst(%dma_wait3A_60 : memref<256x128xf32, #tpu.memory_space<hbm>>)
        tpu.yield
      }) : () -> ()
    } else {
    }
    %eq3A_50 = arith.constant 3 : i32
    %eq3A_51 = arith.cmpi eq, %select_n3A_32, %eq3A_50 : i32
    %convert_element_type3A_52 = arith.extui %eq3A_51 : i1 to i32
    %cond3A_53 = arith.constant 0 : i32
    %cond3A_54 = arith.cmpi ne, %convert_element_type3A_52, %cond3A_53 : i32
    scf.if %cond3A_54 {
      "tpu.region"() ({
        %run_scoped3A = tpu.sem_alloc : memref<!tpu.dma_semaphore, #tpu.memory_space<semaphore_mem>>
        %dma_start3A_55 = arith.constant 0 : i32
        %dma_start3A_56 = arith.constant 0 : i32
        %dma_start3A_57 = tpu.memref_slice %arg5[%dma_start3A_55, %dma_start3A_56] : memref<256x128xf32, #tpu.memory_space<vmem>> -> memref<232x128xf32, #tpu.memory_space<vmem>>
        %dma_start3A_58 = arith.constant 768 : i32
        %dma_start3A_59 = tpu.memref_slice %arg3[%dma_start3A_58, %mul3A_18] : memref<1000x1024xf32, #tpu.memory_space<hbm>> -> memref<232x128xf32, #tpu.memory_space<hbm>>
        %dma_start3A_60 = arith.constant 768 : i32
        %dma_start3A_61 = tpu.memref_slice %arg3[%dma_start3A_60, %mul3A_18] : memref<1000x1024xf32, #tpu.memory_space<hbm>> -> memref<232x128xf32, #tpu.memory_space<hbm>>
        %dma_start3A_62 = arith.constant 0 : i32
        %dma_start3A_63 = arith.constant 0 : i32
        %dma_start3A_64 = tpu.memref_slice %arg5[%dma_start3A_62, %dma_start3A_63] : memref<256x128xf32, #tpu.memory_space<vmem>> -> memref<232x128xf32, #tpu.memory_space<vmem>>
        tpu.enqueue_dma source(%dma_start3A_64 : memref<232x128xf32, #tpu.memory_space<vmem>>) target(%dma_start3A_61 : memref<232x128xf32, #tpu.memory_space<hbm>>) target_semaphore(%run_scoped3A : memref<!tpu.dma_semaphore, #tpu.memory_space<semaphore_mem>>)
        %dma_wait3A_65 = arith.constant 0 : i32
        %dma_wait3A_66 = arith.constant 0 : i32
        %dma_wait3A_67 = tpu.memref_slice %arg5[%dma_wait3A_65, %dma_wait3A_66] : memref<256x128xf32, #tpu.memory_space<vmem>> -> memref<232x128xf32, #tpu.memory_space<vmem>>
        %dma_wait3A_68 = arith.constant 768 : i32
        %dma_wait3A_69 = tpu.memref_slice %arg3[%dma_wait3A_68, %mul3A_18] : memref<1000x1024xf32, #tpu.memory_space<hbm>> -> memref<232x128xf32, #tpu.memory_space<hbm>>
        %dma_wait3A_70 = arith.constant 768 : i32
        %dma_wait3A_71 = tpu.memref_slice %arg3[%dma_wait3A_70, %mul3A_18] : memref<1000x1024xf32, #tpu.memory_space<hbm>> -> memref<232x128xf32, #tpu.memory_space<hbm>>
        %dma_wait3A_72 = arith.constant 0 : i32
        %dma_wait3A_73 = arith.constant 0 : i32
        %dma_wait3A_74 = tpu.memref_slice %arg5[%dma_wait3A_72, %dma_wait3A_73] : memref<256x128xf32, #tpu.memory_space<vmem>> -> memref<232x128xf32, #tpu.memory_space<vmem>>
        tpu.wait_dma2 semaphore(%run_scoped3A : memref<!tpu.dma_semaphore, #tpu.memory_space<semaphore_mem>>) src(%dma_wait3A_74 : memref<232x128xf32, #tpu.memory_space<vmem>>) dst(%dma_wait3A_71 : memref<232x128xf32, #tpu.memory_space<hbm>>)
        tpu.yield
      }) : () -> ()
    } else {
    }
    return
  }
}

</mosaic_0001>

<sc_bundles>
// kernel: kernel.3.cloned.1.call-start
scs
__scs_entry_jumppad:
0x0: {  	(pc) =	sbr.rel $0x88, $3  }
0x1: {  	(tag) =	ssettag $0x0;
	lr =	simm.s32 $0x1  }
0x2: {  	[smem:$0x3FA0] =	sst lr;
	_ =	strace $0xD0000000  }
0x3: {  	_ = 	snop  }
0x4: {  	_ = 	snop  }
0x5: {  	_ = 	snop  }
0x6: {  	_ = 	snop  }
0x7: {  	_ = 	snop  }
__scs_overlays_trampoline_lowered:
0x8: {  	[smem:$0x3FAF] =	sst s0  }
0x9: {  	[smem:$0x3FB0] =	sst s1  }
0xa: {  	[smem:$0x3FB1] =	sst s2  }
0xb: {  	[smem:$0x3FB2] =	sst s3  }
0xc: {  	[smem:$0x3FB3] =	sst s4  }
0xd: {  	[smem:$0x3FB4] =	sst s5  }
0xe: {  	[smem:$0x3FB5] =	sst s6  }
0xf: {  	[smem:$0x3FB6] =	sst s7  }
0x10: {  	[smem:$0x3FB7] =	sst s8  }
0x11: {  	[smem:$0x3FB8] =	sst s9;
	s0 =	simm.s32 @!p0 $0x0  }
0x12: {  	s1 =	sld [smem:$0x3F9E];
	s0 =	simm.s32 @p0 $0x1  }
0x13: {  	[smem:$0x3FB9] =	sst s0;
	s0 =	simm.s32 @!p1 $0x0  }
0x14: {  	s2 =	sld [smem:$0x3F9D];
	s0 =	simm.s32 @p1 $0x1  }
0x15: {  	[smem:$0x3FBA] =	sst s0;
	s0 =	simm.s32 @!p2 $0x0  }
0x16: {  	s3 =	sld [smem:$0x3FDB];
	s0 =	simm.s32 @p2 $0x1  }
0x17: {  	s4 =	simm.s32 $0x1BF5;
	[smem:$0x3FBC] =	sst s0  }
0x18: {  	s0 =	sld [smem:$0x3F9F];
	_ =	swait.ge [sflag:s4], $0x0  }
0x19: {  	s7 =	sld [smem:$0x3FA0]  }
0x1a: {  	s8 =	sadd.s32 $0xFFFFE003, lr  }
0x1b: {  	s9 =	sadd.s32 $0xFFFFFEF7, lr;
	s5 =	simm.s32 $0xFFFFFFFF;
	p2 =	slt.u32 s8, $0xFFFFF086  }
0x1c: {  	p1 =	slt.u32 s9, $0xF7A;
	s5 =	simm.s32 @!p2 $0x0  }
0x1d: {  	s5 =	simm.s32 @p1 $0x1;
	p0 =	seq.s32 s7, s2  }
0x1e: {  	s7 =	smul.u32 @!p0 $0xF7A, s2;
	p2 =	seq.s32 @!p0 s5, $0x0  }
0x1f: {  	s9 =	smul.u32 $0xF7A, s1;
	s8 =	simm.s32 @!p0 $0x1BF5;
	p2 =	por !p2, p0  }
0x20: {  	[sflag:s8] =	ssyncset.s32 @!p0 $0xFFFFF086;
	s6 =	sadd.s32 @!p0 s3, s7;
	s7 =	simm.s32 @!p0 $0x108  }
0x21: {  	s3 =	sadd.s32 s3, s9;
	s6 =	sadd.s32 @!p0 $0x88, s6;
	s7 =	simm.s32 @p2 $0x1082  }
0x22: {  	[simem:s7], [sflag:s8] =	dma.local @!p0 [hbm:s6], $0xF7A  }
0x23: {  	s9 =	sor.u32 $0xD0000000, s2;
	s6 =	simm.s32 $0x108;
	_ =	swait.ge @!p0 [sflag:s8], $0x0  }
0x24: {  	s3 =	sadd.s32 $0x88, s3;
	s6 =	simm.s32 @!p1 $0x1082;
	[sflag:s4] =	ssyncset.s32 $0xFFFFF086  }
0x25: {  	[simem:s6], [sflag:s4] =	dma.local [hbm:s3], $0xF7A  }
0x26: {  	[smem:$0x3FA0] =	sst s1;
	(tag) =	ssettag s2;
	_ =	strace s9  }
0x27: {  	s1 =	sld [smem:$0x3FB0]  }
0x28: {  	s2 =	sld [smem:$0x3FB1]  }
0x29: {  	s4 =	sld [smem:$0x3FB3]  }
0x2a: {  	p0 =	seq.s32 s5, $0x0;
	s5 =	sld [smem:$0x3FB4]  }
0x2b: {  	s6 =	sld [smem:$0x3FB5]  }
0x2c: {  	s7 =	sld [smem:$0x3FB6]  }
0x2d: {  	s3 =	simm.s32 $0x108;
	s8 =	sld [smem:$0x3FB7]  }
0x2e: {  	s3 =	simm.s32 @!p0 $0x1082;
	s9 =	sld [smem:$0x3FB8]  }
0x2f: {  	lr =	sadd.s32 s0, s3;
	s0 =	sld [smem:$0x3FAF]  }
0x30: {  	s3 =	sld [smem:$0x3FB2]  }
0x31: {  	[smem:$0x3FBB] =	sst s10  }
0x32: {  	s10 =	sld [smem:$0x3FB9];
	_ =	sdelay $0x3  }
0x33: {  	p0 =	seq.s32 s10, $0x1;
	s10 =	sld [smem:$0x3FBB];
	_ =	sdelay $0x3  }
0x34: {  	[smem:$0x3FBB] =	sst s10  }
0x35: {  	s10 =	sld [smem:$0x3FBA];
	_ =	sdelay $0x3  }
0x36: {  	p1 =	seq.s32 s10, $0x1;
	s10 =	sld [smem:$0x3FBB];
	_ =	sdelay $0x3  }
0x37: {  	[smem:$0x3FBB] =	sst s10  }
0x38: {  	s10 =	sld [smem:$0x3FBC]  }
0x39: {  	_ = 	snop;
	(pc) =	sbr.ind lr, $3  }
0x3a: {  	_ = 	snop  }
0x3b: {  	_ = 	snop  }
0x3c: {  	p2 =	seq.s32 s10, $0x1;
	s10 =	sld [smem:$0x3FBB]  }
0x3d: {  	_ =	shalt  }
0x3e: {  	_ =	shalt  }
0x3f: {  	_ =	shalt  }
0x40: {  	_ =	shalt  }
0x41: {  	_ =	shalt  }
0x42: {  	_ =	shalt  }
0x43: {  	_ =	shalt  }
0x44: {  	_ =	shalt  }
0x45: {  	_ =	shalt  }
0x46: {  	_ =	shalt  }
0x47: {  	_ =	shalt  }
0x48: {  	_ =	shalt  }
0x49: {  	_ =	shalt  }
0x4a: {  	_ =	shalt  }
0x4b: {  	_ =	shalt  }
0x4c: {  	_ =	shalt  }
0x4d: {  	_ =	shalt  }
0x4e: {  	_ =	shalt  }
0x4f: {  	_ =	shalt  }
0x50: {  	_ =	shalt  }
0x51: {  	_ =	shalt  }
0x52: {  	_ =	shalt  }
0x53: {  	_ =	shalt  }
0x54: {  	_ =	shalt  }
0x55: {  	_ =	shalt  }
0x56: {  	_ =	shalt  }
0x57: {  	_ =	shalt  }
0x58: {  	_ =	shalt  }
0x59: {  	_ =	shalt  }
0x5a: {  	_ =	shalt  }
0x5b: {  	_ =	shalt  }
0x5c: {  	_ =	shalt  }
0x5d: {  	_ =	shalt  }
0x5e: {  	_ =	shalt  }
0x5f: {  	_ =	shalt  }
0x60: {  	_ =	shalt  }
0x61: {  	_ =	shalt  }
0x62: {  	_ =	shalt  }
0x63: {  	_ =	shalt  }
0x64: {  	_ =	shalt  }
0x65: {  	_ =	shalt  }
0x66: {  	_ =	shalt  }
0x67: {  	_ =	shalt  }
0x68: {  	_ =	shalt  }
0x69: {  	_ =	shalt  }
0x6a: {  	_ =	shalt  }
0x6b: {  	_ =	shalt  }
0x6c: {  	_ =	shalt  }
0x6d: {  	_ =	shalt  }
0x6e: {  	_ =	shalt  }
0x6f: {  	_ =	shalt  }
0x70: {  	_ =	shalt  }
0x71: {  	_ =	shalt  }
0x72: {  	_ =	shalt  }
0x73: {  	_ =	shalt  }
0x74: {  	_ =	shalt  }
0x75: {  	_ =	shalt  }
0x76: {  	_ =	shalt  }
0x77: {  	_ =	shalt  }
0x78: {  	_ =	shalt  }
0x79: {  	_ =	shalt  }
0x7a: {  	_ =	shalt  }
0x7b: {  	_ =	shalt  }
0x7c: {  	_ =	shalt  }
0x7d: {  	_ =	shalt  }
0x7e: {  	_ =	shalt  }
0x7f: {  	_ =	shalt  }
0x80: {  	_ =	shalt  }
0x81: {  	_ =	shalt  }
0x82: {  	_ =	shalt  }
0x83: {  	_ =	shalt  }
0x84: {  	_ =	shalt  }
0x85: {  	_ =	shalt  }
0x86: {  	_ =	shalt  }
0x87: {  	_ =	shalt  }
.Lfunc_end0:
.L_simem_size_0:
called_computation_lowered:
.L_overlay_start_0:
0x88: {  	s2 =	sld [smem:$0x3FD9]  }
0x89: {  	s3 =	sld [smem:$0x3FFE];
	_ =	sdelay $0x1  }
0x8a: {  	s1 =	srdreg.scid  }
0x8b: {  	s0 =	sand.u32 $0x1, s1  }
0x8c: {  	s18 =	sshll.u32 s0, $0xA;
	s2 =	sadd.s32 s3, s2  }
0x8d: {  	s2 =	sadd.s32 s2, s18  }
0x8e: {  	[smem:$0x3FC7] =	sst s2  }
0x8f: {  	_ = 	snop  }
0x90: {  	s2 =	sld [smem:$0x3FC9]  }
0x91: {  	s19 =	sld [smem:$0x3FD0];
	(tm) =	ssettm $0x1  }
0x92: {  	s4 =	sld [smem:$0x3FFB];
	_ =	sdelay $0x3  }
0x93: {  	_ =	strace s4  }
0x94: {  	s4 =	sld [smem:$0x3FFC];
	_ =	sdelay $0x3  }
0x95: {  	_ =	strace s4  }
0x96: {  	s4 =	sld [smem:$0x3FFD];
	_ =	sdelay $0x3  }
0x97: {  	_ =	strace s4  }
0x98: {  	_ =	strace $0x8FFFFFFF  }
0x99: {  	s20 =	sld [smem:$0x3FDB];
	_ =	sdelay $0x1  }
0x9a: {  	s5 =	simm.s32 $_scs_section_size  }
0x9b: {  	s6 =	simm.s32 $_size__tile_overlayer_lowered;
	s7 =	simm.s32 $_tile_overlayer_lowered  }
0x9c: {  	s23 =	simm.s32 $0x1BFF;
	s22 =	sshll.u32 s7, $0x1;
	s4 =	sadd.s32 s5, s20  }
0x9d: {  	s8 =	simm.s32 $0x0;
	s21 =	sshll.u32 s6, $0x1;
	s6 =	sadd.s32 s22, s4  }
0x9e: {  	[timem:s8], [sflag:s23] =	dma.local [hbm:s6], s21  }
0x9f: {  	_ =	swait.ge [sflag:s23], s21  }
0xa0: {  	s5 =	ssub.s32 $0x0, s21;
	[sflag:s23] =	ssyncset.done $0x0  }
0xa1: {  	[sflag:s23] =	ssyncadd.s32 s5;
	_ =	sdelay $0x1  }
0xa2: {  	s24 =	simm.s32 $0x1B8B  }
0xa3: {  	_ =	swait.ge [sflag:s24], $0x1  }
0xa4: {  	[sflag:s24] =	ssyncset.done $0x0  }
0xa5: {  	s25 =	simm.s32 $0x1B8E;
	[sflag:s24] =	ssyncadd.s32 $0xFFFFFFFF  }
0xa6: {  	s26 =	simm.s32 $execute0_lowered;
	[smem:$0x3FD2] =	sst s25  }
0xa7: {  	s5 =	sshll.u32 s26, $0x1;
	_ =	strace $0x80000046;
	[dreg:$0x1] =	wrdreg $0xFFFFFFFF  }
0xa8: {  	s28 =	simm.s32 $_size_execute0_lowered;
	s4 =	sadd.s32 s4, s5;
	[dreg:$0x0] =	wrdreg $0x0  }
0xa9: {  	s5 =	sshll.u32 s28, $0x1;
	[dreg:$0x2] =	wrdreg s4  }
0xaa: {  	[dreg:$0x3] =	wrdreg s5  }
0xab: {  	[dreg:$0x4] =	wrdreg $0xC0  }
0xac: {  	_ =	task [dreg:s8], $0x5FFFF  }
0xad: {  	[dreg:$0x1] =	wrdreg $0xFFFFFFFF  }
0xae: {  	[dreg:$0x0] =	wrdreg $0x60  }
0xaf: {  	[dreg:$0x2] =	wrdreg s2  }
0xb0: {  	[dreg:$0x3] =	wrdreg s19  }
0xb1: {  	[dreg:$0x4] =	wrdreg $0x9  }
0xb2: {  	_ =	task.clear_ibuf [dreg:s8], $0x5FFFF;
	_ =	strace $0x90000046  }
0xb3: {  	s29 =	simm.s32 $0x9;
	_ =	strace $0x80000048  }
0xb4: {  	_ =	swait.ge [sflag:s29], $0x1  }
0xb5: {  	[sflag:s29] =	ssyncadd.s32 $0xFFFFFFFF  }
0xb6: {  	_ =	strace $0x90000048  }
0xb7: {  	_ =	sfence  }
0xb8: {  	s30 =	sld [smem:$0x0];
	_ =	sdelay $0x2  }
0xb9: {  	s31 =	sshll.u32 s1, $0xD;
	s1 =	sshrl.u32 s1, $0x2  }
0xba: {  	s3 =	sand.u32 $0x4000, s31;
	s1 =	sadd.s32 s1, s30  }
0xbb: {  	s0 =	sor.u32 s3, s0;
	s1 =	sshll.u32 s1, $0x11  }
0xbc: {  	s0 =	sor.u32 s1, s0  }
0xbd: {  	s0 =	sadd.s32 $0x8F2B, s0  }
0xbe: {  	[sflag:s0] =	ssyncadd.remote.s32 $0x1  }
0xbf: {  	_ =	sfence.sel $0xFFFF  }
0xc0: {  	[dreg:$0x0] =	wrdreg $0xFFFFFFFF;
	(pc) =	sbr.abs _section_cstart, $3  }
0xc1: {  	[dreg:$0x1] =	wrdreg $0xFFFFFFFF  }
0xc2: {  	_ =	task.clear_ibuf [dreg:s8], $0x2FFFF;
	_ =	strace $0x9FFFFFFF  }
0xc3: {  	(tm) =	ssettm $0x7FFFFFFF  }
tec
execute0_lowered:
.L_overlay_start_1:
0x0: {  	(tag) =	ssettag $0x1  }
0x1: {  	s3 =	rddreg [dreg:$0x0]  }
0x2: {  	s6 =	rddreg [dreg:$0x1]  }
0x3: {  	s0 =	rddreg [dreg:$0x2];
	s1 =	stileid.u32  }
0x4: {  	s2 =	simm.s32 $0x0;
	s4 =	srdreg.scid;
	s10 =	simm.s32 $0x1800  }
0x5: {  	s11 =	simm.s32 $0x1;
	s12 =	simm.s32 $0x1C00;
	s5 =	sshll.u32 s1, $0x1  }
0x6: {  	[smem:$0x7FF] =	sst s2;
	s4 =	sand.u32 $0x1, s4;
	s5 =	sand.u32 $0x2, s5  }
0x7: {  	s30 =	sshll.u32 s1, $0x9;
	_ =	strace $0x80000047;
	s13 =	sor.u32 s4, s5  }
0x8: {  	s4 =	ssub.s32 $0x2, s4;
	s5 =	sand.u32 $0x1C00, s30;
	s7 =	sshll.u32 s13, $0x12  }
0x9: {  	s8 =	sshrl.u32 s4, $0x1;
	s9 =	sshrl.u32 s5, $0x3;
	p0 =	seq.s32 s13, $0x3  }
0xa: {  	v1 =	vlaneseq.u32;
	v0 =	vmov s13;
	s13 =	simm.s32 $0x0;
	s5 =	sor.u32 s5, s7;
	s31 =	ssub.s32 s4, s8  }
0xb: {  	v2 =	vimm.f32 $0.0e+00;
	v3 =	vimm.f32 $1.000000000e+00;
	v4 =	vor.u32 $0x10, v1;
	s3 =	sadd.s32 s3, s9;
	s8 =	simm.s32 $0x400;
	s5 =	sshrl.u32 s5, $0x3  }
0xc: {  	v5 =	vor.u32 $0x20, v1;
	v6 =	vor.u32 $0x30, v1;
	v7 =	vor.u32 $0x40, v1;
	s4 =	sadd.s32 $0x1800, s3;
	s5 =	sadd.s32 s6, s5;
	s6 =	sadd.s32 s9, s6  }
0xd: {  	v8 =	vor.u32 $0x50, v1;
	v9 =	vor.u32 $0x60, v1;
	v10 =	vor.u32 $0x70, v1;
	s7 =	smax.u32 s31, $0x1;
	s9 =	simm.s32 $0x2000;
	s6 =	sadd.s32 $0x18000, s6  }
.LBB2_1:
0xe: {  	[tilespmem:s2], [sflag:$0x1] =	stream.strided.gather [hbm4b:s3+s8], $0x1800, s9, s8, $0x38;
	[tilespmem:$0x9C00] =	vst v63  }
0xf: {  	s14 =	simm.s32 $0x1D00  }
0x10: {  	[tilespmem:s10], [sflag:$0x1] =	stream.linear.gather [hbm4b:s4+s2], $0x100, $0x38;
	[tilespmem:$0x9C00] =	vst v63  }
0x11: {  	[tilespmem:s14+$0xFFFFFF00] =	vst v2  }
0x12: {  	[tilespmem:s14+$0xF0] =	vst v2  }
0x13: {  	[tilespmem:s14+$0xE0] =	vst v2  }
0x14: {  	[tilespmem:s14+$0xD0] =	vst v2  }
0x15: {  	[tilespmem:s14+$0xC0] =	vst v2  }
0x16: {  	[tilespmem:s14+$0xB0] =	vst v2  }
0x17: {  	[tilespmem:s14+$0xA0] =	vst v2  }
0x18: {  	[tilespmem:s14+$0x90] =	vst v2  }
0x19: {  	[tilespmem:s14+$0x80] =	vst v2  }
0x1a: {  	[tilespmem:s14+$0x70] =	vst v2  }
0x1b: {  	[tilespmem:s14+$0x60] =	vst v2  }
0x1c: {  	[tilespmem:s14+$0x50] =	vst v2  }
0x1d: {  	[tilespmem:s14+$0x40] =	vst v2  }
0x1e: {  	[tilespmem:s14+$0x30] =	vst v2  }
0x1f: {  	[tilespmem:s14+$0x20] =	vst v2  }
0x20: {  	[tilespmem:s14+$0x10] =	vst v2  }
0x21: {  	[tilespmem:s14+$0x0] =	vst v2  }
0x22: {  	[tilespmem:s14+$0xFFFFFFF0] =	vst v2  }
0x23: {  	[tilespmem:s14+$0xFFFFFFE0] =	vst v2  }
0x24: {  	[tilespmem:s14+$0xFFFFFFD0] =	vst v2  }
0x25: {  	[tilespmem:s14+$0xFFFFFFC0] =	vst v2  }
0x26: {  	[tilespmem:s14+$0xFFFFFFB0] =	vst v2  }
0x27: {  	[tilespmem:s14+$0xFFFFFFA0] =	vst v2  }
0x28: {  	[tilespmem:s14+$0xFFFFFF90] =	vst v2  }
0x29: {  	[tilespmem:s14+$0xFFFFFF80] =	vst v2  }
0x2a: {  	[tilespmem:s14+$0xFFFFFF70] =	vst v2  }
0x2b: {  	[tilespmem:s14+$0xFFFFFF60] =	vst v2  }
0x2c: {  	[tilespmem:s14+$0xFFFFFF50] =	vst v2  }
0x2d: {  	[tilespmem:s14+$0xFFFFFF40] =	vst v2  }
0x2e: {  	[tilespmem:s14+$0xFFFFFF30] =	vst v2  }
0x2f: {  	s15 =	simm.s32 $0x0;
	[tilespmem:s14+$0xFFFFFF20] =	vst v2  }
.LBB2_2:
0x30: {  	s15 =	sadd.s32 $0x4, s15;
	[tilespmem:s14+$0xFFFFFF10] =	vst v2;
	s14 =	sadd.s32 $0x200, s14  }
0x31: {  	[tilespmem:s14+$0xFFFFFF00] =	vst v2;
	p1 =	slt.u32 s15, $0xFC  }
0x32: {  	[tilespmem:s14+$0xF0] =	vst v2  }
0x33: {  	[tilespmem:s14+$0xE0] =	vst v2  }
0x34: {  	[tilespmem:s14+$0xD0] =	vst v2  }
0x35: {  	[tilespmem:s14+$0xC0] =	vst v2  }
0x36: {  	[tilespmem:s14+$0xB0] =	vst v2  }
0x37: {  	[tilespmem:s14+$0xA0] =	vst v2  }
0x38: {  	[tilespmem:s14+$0x90] =	vst v2  }
0x39: {  	[tilespmem:s14+$0x80] =	vst v2  }
0x3a: {  	[tilespmem:s14+$0x70] =	vst v2  }
0x3b: {  	[tilespmem:s14+$0x60] =	vst v2  }
0x3c: {  	[tilespmem:s14+$0x50] =	vst v2  }
0x3d: {  	[tilespmem:s14+$0x40] =	vst v2  }
0x3e: {  	[tilespmem:s14+$0x30] =	vst v2  }
0x3f: {  	[tilespmem:s14+$0x20] =	vst v2  }
0x40: {  	[tilespmem:s14+$0x10] =	vst v2  }
0x41: {  	[tilespmem:s14+$0x0] =	vst v2  }
0x42: {  	[tilespmem:s14+$0xFFFFFFF0] =	vst v2  }
0x43: {  	[tilespmem:s14+$0xFFFFFFE0] =	vst v2  }
0x44: {  	[tilespmem:s14+$0xFFFFFFD0] =	vst v2  }
0x45: {  	[tilespmem:s14+$0xFFFFFFC0] =	vst v2  }
0x46: {  	[tilespmem:s14+$0xFFFFFFB0] =	vst v2  }
0x47: {  	[tilespmem:s14+$0xFFFFFFA0] =	vst v2  }
0x48: {  	[tilespmem:s14+$0xFFFFFF90] =	vst v2  }
0x49: {  	[tilespmem:s14+$0xFFFFFF80] =	vst v2  }
0x4a: {  	[tilespmem:s14+$0xFFFFFF70] =	vst v2  }
.Ltmp0:
0x4b: {  	[tilespmem:s14+$0xFFFFFF60] =	vst v2;
	(pc) =	sbr.rel @p1 .LBB2_2-.Ltmp0, $4  }
0x4c: {  	[tilespmem:s14+$0xFFFFFF50] =	vst v2  }
0x4d: {  	[tilespmem:s14+$0xFFFFFF40] =	vst v2  }
0x4e: {  	[tilespmem:s14+$0xFFFFFF30] =	vst v2  }
0x4f: {  	[tilespmem:s14+$0xFFFFFF20] =	vst v2  }
0x50: {  	[tilespmem:s14+$0xFFFFFF10] =	vst v2  }
0x51: {  	_ =	swait.ge [sflag:s11], $0x1900  }
0x52: {  	[sflag:s11] =	ssyncset.done $0x0  }
0x53: {  	s18 =	simm.s32 $0x80;
	[sflag:s11] =	ssyncadd.s32 $0xFFFFE700  }
0x54: {  	v11 =	vld [tilespmem:s18+$0x0];
	_ =	sdelay $0x4  }
0x55: {  	v11 =	vtrunc.f32 v11  }
0x56: {  	v11 =	vcvt.f32.s32 v11;
	_ =	sdelay $0x1  }
0x57: {  	v12 =	vshrl.u32 v11, $0x8;
	v11 =	vshll.u32 v11, $0x7  }
0x58: {  	vm0 =	veq.s32 v12, v0;
	v11 =	vand.u32 $0x7F80, v11  }
0x59: {  	v11 =	vor.u32 v1, v11;
	_ =	sdelay $0x4  }
0x5a: {  	[tilespmem:v11+s12+$0x0] =	vst.idx.add.f32.msk vm0, v3  }
0x5b: {  	v11 =	vld [tilespmem:s18+$0x10];
	_ =	sdelay $0x4  }
0x5c: {  	v11 =	vtrunc.f32 v11  }
0x5d: {  	v11 =	vcvt.f32.s32 v11;
	_ =	sdelay $0x1  }
0x5e: {  	v12 =	vshrl.u32 v11, $0x8;
	v11 =	vshll.u32 v11, $0x7  }
0x5f: {  	vm0 =	veq.s32 v12, v0;
	v11 =	vand.u32 $0x7F80, v11  }
0x60: {  	v11 =	vor.u32 v4, v11;
	_ =	sdelay $0x1  }
0x61: {  	v12 =	vld [tilespmem:s18+$0xFFFFFF80];
	_ =	sdelay $0x2  }
0x62: {  	[tilespmem:v11+s12+$0x0] =	vst.idx.add.f32.msk vm0, v3  }
0x63: {  	v11 =	vld [tilespmem:s18+$0x20]  }
0x64: {  	s14 =	simm.s32 $0x180;
	v12 =	vtrunc.f32 v12  }
0x65: {  	v13 =	vld [tilespmem:s14+$0x0];
	v12 =	vcvt.f32.s32 v12;
	_ =	sdelay $0x1  }
0x66: {  	v14 =	vshll.u32 v12, $0x7;
	v12 =	vshrl.u32 v12, $0x8  }
0x67: {  	vm0 =	veq.s32 v12, v0;
	v12 =	vand.u32 $0x7F80, v14;
	v11 =	vtrunc.f32 v11  }
0x68: {  	v12 =	vor.u32 v1, v12;
	v11 =	vcvt.f32.s32 v11  }
0x69: {  	v13 =	vtrunc.f32 v13  }
0x6a: {  	v13 =	vcvt.f32.s32 v13;
	v14 =	vshrl.u32 v11, $0x8;
	v11 =	vshll.u32 v11, $0x7  }
0x6b: {  	vm1 =	veq.s32 v14, v0;
	v11 =	vand.u32 $0x7F80, v11  }
0x6c: {  	v14 =	vshrl.u32 v13, $0x8;
	v13 =	vshll.u32 v13, $0x7;
	v11 =	vor.u32 v5, v11  }
0x6d: {  	[tilespmem:v12+s12+$0x0] =	vst.idx.add.f32.msk vm0, v3;
	vm0 =	veq.s32 v14, v0;
	v12 =	vand.u32 $0x7F80, v13  }
0x6e: {  	v13 =	vld [tilespmem:s18+$0xFFFFFF90];
	v12 =	vor.u32 v1, v12;
	_ =	sdelay $0x2  }
0x6f: {  	[tilespmem:v11+s12+$0x0] =	vst.idx.add.f32.msk vm1, v3  }
0x70: {  	v11 =	vld [tilespmem:s18+$0x30]  }
0x71: {  	v13 =	vtrunc.f32 v13;
	[tilespmem:v12+s12+$0x0] =	vst.idx.add.f32.msk vm0, v3  }
0x72: {  	v12 =	vcvt.f32.s32 v13;
	v13 =	vld [tilespmem:s14+$0x10];
	_ =	sdelay $0x1  }
0x73: {  	v14 =	vshrl.u32 v12, $0x8;
	v12 =	vshll.u32 v12, $0x7  }
0x74: {  	vm0 =	veq.s32 v14, v0;
	v12 =	vand.u32 $0x7F80, v12;
	v11 =	vtrunc.f32 v11  }
0x75: {  	v12 =	vor.u32 v4, v12;
	v11 =	vcvt.f32.s32 v11  }
0x76: {  	v13 =	vtrunc.f32 v13  }
0x77: {  	v13 =	vcvt.f32.s32 v13;
	v14 =	vshrl.u32 v11, $0x8;
	v11 =	vshll.u32 v11, $0x7  }
0x78: {  	vm1 =	veq.s32 v14, v0;
	v11 =	vand.u32 $0x7F80, v11  }
0x79: {  	v14 =	vld [tilespmem:s14+$0xFFFFFF80];
	v15 =	vshrl.u32 v13, $0x8;
	v13 =	vshll.u32 v13, $0x7;
	v11 =	vor.u32 v6, v11  }
0x7a: {  	[tilespmem:v12+s12+$0x0] =	vst.idx.add.f32.msk vm0, v3;
	vm0 =	veq.s32 v15, v0;
	v12 =	vand.u32 $0x7F80, v13  }
0x7b: {  	v13 =	vld [tilespmem:s18+$0xFFFFFFA0];
	v12 =	vor.u32 v4, v12;
	_ =	sdelay $0x2  }
0x7c: {  	v14 =	vtrunc.f32 v14;
	[tilespmem:v11+s12+$0x0] =	vst.idx.add.f32.msk vm1, v3  }
0x7d: {  	v11 =	vcvt.f32.s32 v14;
	v14 =	vld [tilespmem:s18+$0x40]  }
0x7e: {  	v13 =	vtrunc.f32 v13;
	[tilespmem:v12+s12+$0x0] =	vst.idx.add.f32.msk vm0, v3  }
0x7f: {  	v13 =	vcvt.f32.s32 v13;
	v12 =	vshll.u32 v11, $0x7;
	v11 =	vshrl.u32 v11, $0x8;
	v15 =	vld [tilespmem:s14+$0x20]  }
0x80: {  	vm0 =	veq.s32 v11, v0;
	v11 =	vand.u32 $0x7F80, v12  }
0x81: {  	v12 =	vshrl.u32 v13, $0x8;
	v13 =	vshll.u32 v13, $0x7;
	v11 =	vor.u32 v1, v11  }
0x82: {  	v13 =	vand.u32 $0x7F80, v13;
	vm1 =	veq.s32 v12, v0;
	v12 =	vtrunc.f32 v14  }
0x83: {  	s15 =	simm.s32 $0x280;
	v13 =	vor.u32 v5, v13;
	v12 =	vcvt.f32.s32 v12  }
0x84: {  	v14 =	vtrunc.f32 v15;
	v15 =	vld [tilespmem:s15+$0x0]  }
0x85: {  	v14 =	vcvt.f32.s32 v14;
	v16 =	vshrl.u32 v12, $0x8;
	v12 =	vshll.u32 v12, $0x7  }
0x86: {  	[tilespmem:v11+s12+$0x0] =	vst.idx.add.f32.msk vm0, v3;
	vm0 =	veq.s32 v16, v0;
	v11 =	vand.u32 $0x7F80, v12  }
0x87: {  	v12 =	vld [tilespmem:s14+$0xFFFFFF90];
	v16 =	vshrl.u32 v14, $0x8;
	v14 =	vshll.u32 v14, $0x7;
	v11 =	vor.u32 v7, v11  }
0x88: {  	[tilespmem:v13+s12+$0x0] =	vst.idx.add.f32.msk vm1, v3;
	vm1 =	veq.s32 v16, v0;
	v13 =	vand.u32 $0x7F80, v14  }
0x89: {  	v14 =	vld [tilespmem:s18+$0xFFFFFFB0];
	v13 =	vor.u32 v5, v13;
	v15 =	vtrunc.f32 v15  }
0x8a: {  	v15 =	vcvt.f32.s32 v15  }
0x8b: {  	v16 =	vld [tilespmem:s15+$0xFFFFFF80]  }
0x8c: {  	v12 =	vtrunc.f32 v12;
	[tilespmem:v11+s12+$0x0] =	vst.idx.add.f32.msk vm0, v3;
	v11 =	vshrl.u32 v15, $0x8;
	v15 =	vshll.u32 v15, $0x7  }
0x8d: {  	v12 =	vcvt.f32.s32 v12;
	v17 =	vld [tilespmem:s18+$0x50];
	vm0 =	veq.s32 v11, v0;
	v11 =	vand.u32 $0x7F80, v15  }
0x8e: {  	v14 =	vtrunc.f32 v14;
	[tilespmem:v13+s12+$0x0] =	vst.idx.add.f32.msk vm1, v3;
	v11 =	vor.u32 v1, v11  }
0x8f: {  	v14 =	vcvt.f32.s32 v14;
	v13 =	vshrl.u32 v12, $0x8;
	v12 =	vshll.u32 v12, $0x7;
	v15 =	vld [tilespmem:s14+$0x30]  }
0x90: {  	vm1 =	veq.s32 v13, v0;
	v12 =	vand.u32 $0x7F80, v12  }
0x91: {  	v13 =	vshrl.u32 v14, $0x8;
	v14 =	vshll.u32 v14, $0x7;
	v12 =	vor.u32 v4, v12  }
0x92: {  	vm2 =	veq.s32 v13, v0;
	v13 =	vand.u32 $0x7F80, v14;
	v14 =	vtrunc.f32 v17  }
0x93: {  	v13 =	vor.u32 v6, v13;
	v14 =	vcvt.f32.s32 v14;
	[tilespmem:v11+s12+$0x0] =	vst.idx.add.f32.msk vm0, v3  }
0x94: {  	v11 =	vtrunc.f32 v16;
	v15 =	vtrunc.f32 v15;
	v16 =	vld [tilespmem:s15+$0x10]  }
0x95: {  	v15 =	vcvt.f32.s32 v15;
	v17 =	vshrl.u32 v14, $0x8;
	v14 =	vshll.u32 v14, $0x7  }
0x96: {  	v11 =	vcvt.f32.s32 v11;
	[tilespmem:v12+s12+$0x0] =	vst.idx.add.f32.msk vm1, v3;
	vm0 =	veq.s32 v17, v0;
	v12 =	vand.u32 $0x7F80, v14  }
0x97: {  	v14 =	vld [tilespmem:s14+$0xFFFFFFA0];
	v17 =	vshrl.u32 v15, $0x8;
	v15 =	vshll.u32 v15, $0x7;
	v12 =	vor.u32 v8, v12  }
0x98: {  	[tilespmem:v13+s12+$0x0] =	vst.idx.add.f32.msk vm2, v3;
	v13 =	vshll.u32 v11, $0x7;
	vm1 =	veq.s32 v17, v0;
	v15 =	vand.u32 $0x7F80, v15  }
0x99: {  	v11 =	vshrl.u32 v11, $0x8;
	v17 =	vld [tilespmem:s18+$0xFFFFFFC0];
	v15 =	vor.u32 v6, v15;
	v16 =	vtrunc.f32 v16  }
0x9a: {  	vm2 =	veq.s32 v11, v0;
	v11 =	vand.u32 $0x7F80, v13;
	v13 =	vcvt.f32.s32 v16  }
0x9b: {  	v11 =	vor.u32 v1, v11  }
0x9c: {  	v14 =	vtrunc.f32 v14;
	[tilespmem:v12+s12+$0x0] =	vst.idx.add.f32.msk vm0, v3;
	v12 =	vshrl.u32 v13, $0x8;
	v13 =	vshll.u32 v13, $0x7  }
0x9d: {  	v14 =	vcvt.f32.s32 v14;
	v16 =	vld [tilespmem:s18+$0x60];
	vm0 =	veq.s32 v12, v0;
	v12 =	vand.u32 $0x7F80, v13  }
0x9e: {  	v13 =	vtrunc.f32 v17;
	[tilespmem:v15+s12+$0x0] =	vst.idx.add.f32.msk vm1, v3;
	v12 =	vor.u32 v4, v12  }
0x9f: {  	v13 =	vcvt.f32.s32 v13;
	v15 =	vshrl.u32 v14, $0x8;
	v14 =	vshll.u32 v14, $0x7;
	v17 =	vld [tilespmem:s14+$0x40]  }
0xa0: {  	[tilespmem:v11+s12+$0x0] =	vst.idx.add.f32.msk vm2, v3;
	v14 =	vand.u32 $0x7F80, v14;
	vm1 =	veq.s32 v15, v0  }
0xa1: {  	v15 =	vld [tilespmem:s15+$0xFFFFFF90];
	v11 =	vor.u32 v5, v14;
	v14 =	vshll.u32 v13, $0x7;
	v13 =	vshrl.u32 v13, $0x8  }
0xa2: {  	s16 =	simm.s32 $0x380;
	v14 =	vand.u32 $0x7F80, v14;
	vm2 =	veq.s32 v13, v0;
	v13 =	vtrunc.f32 v16  }
0xa3: {  	v18 =	vld [tilespmem:s16+$0x0];
	v14 =	vor.u32 v7, v14;
	v13 =	vcvt.f32.s32 v13  }
0xa4: {  	[tilespmem:v12+s12+$0x0] =	vst.idx.add.f32.msk vm0, v3;
	v12 =	vtrunc.f32 v17  }
0xa5: {  	v16 =	vld [tilespmem:s15+$0x20];
	v12 =	vcvt.f32.s32 v12;
	v17 =	vshrl.u32 v13, $0x8;
	v13 =	vshll.u32 v13, $0x7  }
0xa6: {  	v15 =	vtrunc.f32 v15;
	[tilespmem:v11+s12+$0x0] =	vst.idx.add.f32.msk vm1, v3;
	vm1 =	veq.s32 v17, v0;
	v11 =	vand.u32 $0x7F80, v13  }
0xa7: {  	v13 =	vld [tilespmem:s14+$0xFFFFFFB0];
	v17 =	vshrl.u32 v12, $0x8;
	v12 =	vshll.u32 v12, $0x7;
	v11 =	vor.u32 v9, v11  }
0xa8: {  	v15 =	vcvt.f32.s32 v15;
	[tilespmem:v14+s12+$0x0] =	vst.idx.add.f32.msk vm2, v3;
	vm2 =	veq.s32 v17, v0;
	v12 =	vand.u32 $0x7F80, v12  }
0xa9: {  	v12 =	vor.u32 v7, v12  }
0xaa: {  	v17 =	vshrl.u32 v15, $0x8;
	v15 =	vshll.u32 v15, $0x7;
	v16 =	vtrunc.f32 v16  }
0xab: {  	v18 =	vtrunc.f32 v18;
	v14 =	vld [tilespmem:s18+$0xFFFFFFD0];
	v15 =	vand.u32 $0x7F80, v15;
	v16 =	vcvt.f32.s32 v16  }
0xac: {  	v18 =	vcvt.f32.s32 v18;
	vm0 =	veq.s32 v17, v0;
	v15 =	vor.u32 v4, v15;
	[tilespmem:v11+s12+$0x0] =	vst.idx.add.f32.msk vm1, v3  }
0xad: {  	v13 =	vtrunc.f32 v13;
	v11 =	vshrl.u32 v16, $0x8;
	v16 =	vshll.u32 v16, $0x7;
	v17 =	vld [tilespmem:s18+$0x70]  }
0xae: {  	v13 =	vcvt.f32.s32 v13;
	vm1 =	veq.s32 v11, v0;
	v11 =	vand.u32 $0x7F80, v16;
	[tilespmem:v12+s12+$0x0] =	vst.idx.add.f32.msk vm2, v3  }
0xaf: {  	v19 =	vshrl.u32 v18, $0x8;
	v11 =	vor.u32 v5, v11;
	v16 =	vld [tilespmem:s14+$0x50]  }
0xb0: {  	v12 =	vtrunc.f32 v14;
	v14 =	vshll.u32 v13, $0x7;
	v13 =	vshrl.u32 v13, $0x8  }
0xb1: {  	v12 =	vcvt.f32.s32 v12;
	v14 =	vand.u32 $0x7F80, v14;
	vm2 =	veq.s32 v13, v0  }
0xb2: {  	v18 =	vshll.u32 v18, $0x7;
	vm3 =	veq.s32 v19, v0;
	v13 =	vor.u32 v6, v14;
	v14 =	vld [tilespmem:s16+$0xFFFFFF80]  }
0xb3: {  	v18 =	vand.u32 $0x7F80, v18;
	[tilespmem:v15+s12+$0x0] =	vst.idx.add.f32.msk vm0, v3;
	v20 =	vshrl.u32 v12, $0x8;
	v12 =	vshll.u32 v12, $0x7  }
0xb4: {  	v12 =	vand.u32 $0x7F80, v12;
	v17 =	vtrunc.f32 v17;
	[tilespmem:v11+s12+$0x0] =	vst.idx.add.f32.msk vm1, v3;
	v16 =	vtrunc.f32 v16  }
0xb5: {  	v11 =	vcvt.f32.s32 v17;
	v17 =	vor.u32 v1, v18;
	v18 =	vld [tilespmem:s15+$0x30];
	v15 =	vcvt.f32.s32 v16  }
0xb6: {  	vm0 =	veq.s32 v20, v0;
	v12 =	vor.u32 v8, v12;
	v16 =	vld [tilespmem:s15+$0xFFFFFFA0]  }
0xb7: {  	v14 =	vtrunc.f32 v14;
	[tilespmem:v13+s12+$0x0] =	vst.idx.add.f32.msk vm2, v3;
	v13 =	vshrl.u32 v15, $0x8;
	v15 =	vshll.u32 v15, $0x7  }
0xb8: {  	v14 =	vcvt.f32.s32 v14;
	vm1 =	veq.s32 v13, v0;
	v13 =	vand.u32 $0x7F80, v15  }
0xb9: {  	v19 =	vshrl.u32 v11, $0x8;
	v20 =	vld [tilespmem:s14+$0xFFFFFFC0];
	v13 =	vor.u32 v8, v13  }
0xba: {  	[tilespmem:v17+s12+$0x0] =	vst.idx.add.f32.msk vm3, v3;
	v17 =	vshll.u32 v14, $0x7;
	v14 =	vshrl.u32 v14, $0x8;
	v15 =	vtrunc.f32 v18  }
0xbb: {  	v18 =	vld [tilespmem:s16+$0x10];
	vm2 =	veq.s32 v14, v0;
	v14 =	vand.u32 $0x7F80, v17;
	v15 =	vcvt.f32.s32 v15  }
0xbc: {  	v11 =	vshll.u32 v11, $0x7;
	v16 =	vtrunc.f32 v16;
	v14 =	vor.u32 v1, v14  }
0xbd: {  	[tilespmem:v12+s12+$0x0] =	vst.idx.add.f32.msk vm0, v3;
	v16 =	vcvt.f32.s32 v16;
	v12 =	vshrl.u32 v15, $0x8;
	v15 =	vshll.u32 v15, $0x7  }
0xbe: {  	v17 =	vld [tilespmem:s18+$0xFFFFFFE0];
	vm0 =	veq.s32 v12, v0;
	v12 =	vand.u32 $0x7F80, v15;
	v15 =	vtrunc.f32 v20  }
0xbf: {  	v11 =	vand.u32 $0x7F80, v11;
	[tilespmem:v13+s12+$0x0] =	vst.idx.add.f32.msk vm1, v3;
	v12 =	vor.u32 v6, v12;
	v13 =	vcvt.f32.s32 v15  }
0xc0: {  	v15 =	vshll.u32 v16, $0x7;
	v20 =	vld [tilespmem:s14+$0x60];
	v18 =	vtrunc.f32 v18;
	v16 =	vshrl.u32 v16, $0x8  }
0xc1: {  	v15 =	vand.u32 $0x7F80, v15;
	v18 =	vcvt.f32.s32 v18;
	vm3 =	veq.s32 v16, v0  }
0xc2: {  	[tilespmem:v14+s12+$0x0] =	vst.idx.add.f32.msk vm2, v3;
	v15 =	vor.u32 v5, v15;
	v16 =	vshll.u32 v13, $0x7;
	v13 =	vshrl.u32 v13, $0x8  }
0xc3: {  	v14 =	vld [tilespmem:s16+$0xFFFFFF90];
	v21 =	vshrl.u32 v18, $0x8;
	v18 =	vshll.u32 v18, $0x7;
	v16 =	vand.u32 $0x7F80, v16  }
0xc4: {  	vm2 =	veq.s32 v21, v0;
	v18 =	vand.u32 $0x7F80, v18;
	[tilespmem:v12+s12+$0x0] =	vst.idx.add.f32.msk vm0, v3;
	v12 =	vtrunc.f32 v17  }
0xc5: {  	v17 =	vtrunc.f32 v20;
	v18 =	vor.u32 v4, v18;
	vm0 =	veq.s32 v13, v0  }
0xc6: {  	v20 =	vld [tilespmem:s15+$0x40];
	v13 =	vcvt.f32.s32 v12;
	v12 =	vor.u32 v10, v11;
	v11 =	vor.u32 v7, v16  }
0xc7: {  	v17 =	vcvt.f32.s32 v17;
	[tilespmem:v15+s12+$0x0] =	vst.idx.add.f32.msk vm3, v3  }
0xc8: {  	vm1 =	veq.s32 v19, v0;
	v14 =	vtrunc.f32 v14;
	v16 =	vshll.u32 v13, $0x7;
	v19 =	vld [tilespmem:s15+$0xFFFFFFB0]  }
0xc9: {  	v15 =	vshrl.u32 v17, $0x8;
	v17 =	vshll.u32 v17, $0x7;
	v14 =	vcvt.f32.s32 v14  }
0xca: {  	v13 =	vshrl.u32 v13, $0x8;
	vm3 =	veq.s32 v15, v0;
	v15 =	vand.u32 $0x7F80, v17;
	[tilespmem:v18+s12+$0x0] =	vst.idx.add.f32.msk vm2, v3  }
0xcb: {  	v15 =	vor.u32 v9, v15;
	v17 =	vtrunc.f32 v20;
	[tilespmem:v11+s12+$0x0] =	vst.idx.add.f32.msk vm0, v3;
	vm0 =	veq.s32 v13, v0  }
0xcc: {  	v18 =	vld [tilespmem:s16+$0x20];
	v11 =	vshrl.u32 v14, $0x8;
	v13 =	vshll.u32 v14, $0x7;
	v17 =	vcvt.f32.s32 v17  }
0xcd: {  	v14 =	vld [tilespmem:s14+$0xFFFFFFD0];
	vm2 =	veq.s32 v11, v0;
	v13 =	vand.u32 $0x7F80, v13;
	v19 =	vtrunc.f32 v19  }
0xce: {  	v13 =	vor.u32 v4, v13;
	v11 =	vshrl.u32 v17, $0x8;
	v17 =	vshll.u32 v17, $0x7  }
0xcf: {  	vm4 =	veq.s32 v11, v0;
	v11 =	vand.u32 $0x7F80, v17;
	v17 =	vcvt.f32.s32 v19  }
0xd0: {  	v16 =	vand.u32 $0x7F80, v16;
	[tilespmem:v15+s12+$0x0] =	vst.idx.add.f32.msk vm3, v3;
	v11 =	vor.u32 v7, v11  }
0xd1: {  	s17 =	simm.s32 $0x480;
	v15 =	vor.u32 v9, v16;
	v16 =	vld [tilespmem:s14+$0x70];
	v18 =	vtrunc.f32 v18;
	v19 =	vshrl.u32 v17, $0x8  }
0xd2: {  	v20 =	vld [tilespmem:s17+$0x0];
	v17 =	vshll.u32 v17, $0x7;
	v18 =	vcvt.f32.s32 v18;
	v14 =	vtrunc.f32 v14  }
0xd3: {  	vm5 =	veq.s32 v19, v0;
	v17 =	vand.u32 $0x7F80, v17;
	v14 =	vcvt.f32.s32 v14;
	v19 =	vld [tilespmem:s17+$0xFFFFFF80]  }
0xd4: {  	[tilespmem:v13+s12+$0x0] =	vst.idx.add.f32.msk vm2, v3;
	v56 =	vshrl.u32 v18, $0x8;
	v18 =	vshll.u32 v18, $0x7;
	v17 =	vor.u32 v6, v17  }
0xd5: {  	vm6 =	veq.s32 v56, v0;
	v18 =	vand.u32 $0x7F80, v18;
	v13 =	vshrl.u32 v14, $0x8;
	[tilespmem:v11+s12+$0x0] =	vst.idx.add.f32.msk vm4, v3  }
0xd6: {  	v11 =	vshll.u32 v14, $0x7;
	v16 =	vtrunc.f32 v16;
	v18 =	vor.u32 v5, v18;
	v57 =	vld [tilespmem:s15+$0x50]  }
0xd7: {  	vm3 =	veq.s32 v13, v0;
	v14 =	vcvt.f32.s32 v16;
	v16 =	vtrunc.f32 v20  }
0xd8: {  	[tilespmem:v15+s12+$0x0] =	vst.idx.add.f32.msk vm0, v3;
	v11 =	vand.u32 $0x7F80, v11;
	v13 =	vcvt.f32.s32 v16;
	v19 =	vtrunc.f32 v19  }
0xd9: {  	v20 =	vld [tilespmem:s16+$0xFFFFFFA0];
	v16 =	vshrl.u32 v14, $0x8;
	v14 =	vshll.u32 v14, $0x7;
	v19 =	vcvt.f32.s32 v19  }
0xda: {  	[tilespmem:v17+s12+$0x0] =	vst.idx.add.f32.msk vm5, v3;
	vm2 =	veq.s32 v16, v0;
	v16 =	vshrl.u32 v13, $0x8;
	v13 =	vshll.u32 v13, $0x7  }
0xdb: {  	vm4 =	veq.s32 v16, v0;
	v13 =	vand.u32 $0x7F80, v13;
	[tilespmem:v18+s12+$0x0] =	vst.idx.add.f32.msk vm6, v3;
	v16 =	vtrunc.f32 v57  }
0xdc: {  	v14 =	vand.u32 $0x7F80, v14;
	v13 =	vor.u32 v1, v13;
	v17 =	vld [tilespmem:s16+$0x30];
	v16 =	vcvt.f32.s32 v16  }
0xdd: {  	v11 =	vor.u32 v8, v11;
	v18 =	vld [tilespmem:s15+$0xFFFFFFC0];
	v14 =	vor.u32 v10, v14  }
0xde: {  	v58 =	vld [tilespmem:s18+$0xFFFFFFF0];
	v22 =	vshrl.u32 v19, $0x8;
	v15 =	vshrl.u32 v16, $0x8;
	v16 =	vshll.u32 v16, $0x7  }
0xdf: {  	v20 =	vtrunc.f32 v20;
	vm0 =	veq.s32 v15, v0;
	v15 =	vand.u32 $0x7F80, v16  }
0xe0: {  	vm5 =	veq.s32 v22, v0;
	v16 =	vshll.u32 v19, $0x7;
	v15 =	vor.u32 v8, v15  }
0xe1: {  	[tilespmem:v13+s12+$0x0] =	vst.idx.add.f32.msk vm4, v3;
	v13 =	vand.u32 $0x7F80, v16;
	v16 =	vcvt.f32.s32 v20;
	v17 =	vtrunc.f32 v17  }
0xe2: {  	v18 =	vtrunc.f32 v18;
	v13 =	vor.u32 v1, v13;
	v19 =	vld [tilespmem:s17+$0x10];
	v17 =	vcvt.f32.s32 v17  }
0xe3: {  	[tilespmem:v11+s12+$0x0] =	vst.idx.add.f32.msk vm3, v3;
	v11 =	vtrunc.f32 v58;
	v18 =	vcvt.f32.s32 v18;
	v20 =	vshrl.u32 v16, $0x8  }
0xe4: {  	v60 =	vld [tilespmem:s14+$0xFFFFFFE0];
	v16 =	vshll.u32 v16, $0x7;
	v59 =	vshrl.u32 v17, $0x8;
	v17 =	vshll.u32 v17, $0x7  }
0xe5: {  	v16 =	vand.u32 $0x7F80, v16;
	vm3 =	veq.s32 v59, v0;
	v17 =	vand.u32 $0x7F80, v17;
	[tilespmem:v15+s12+$0x0] =	vst.idx.add.f32.msk vm0, v3  }
0xe6: {  	v61 =	vcvt.f32.s32 v11;
	v15 =	vor.u32 v5, v16;
	v16 =	vor.u32 v6, v17;
	v17 =	vld [tilespmem:s15+$0x60]  }
0xe7: {  	vm0 =	veq.s32 v20, v0;
	v20 =	vshll.u32 v18, $0x7;
	[tilespmem:v13+s12+$0x0] =	vst.idx.add.f32.msk vm5, v3;
	v13 =	vtrunc.f32 v19  }
0xe8: {  	v18 =	vshrl.u32 v18, $0x8;
	v19 =	vand.u32 $0x7F80, v20;
	v20 =	vld [tilespmem:s17+$0xFFFFFF90];
	v13 =	vcvt.f32.s32 v13  }
0xe9: {  	vm4 =	veq.s32 v18, v0;
	v18 =	vor.u32 v7, v19;
	v19 =	vtrunc.f32 v60  }
0xea: {  	[tilespmem:v12+s12+$0x0] =	vst.idx.add.f32.msk vm1, v3;
	v19 =	vcvt.f32.s32 v19;
	v11 =	vshrl.u32 v13, $0x8;
	v13 =	vshll.u32 v13, $0x7  }
0xeb: {  	[tilespmem:v16+s12+$0x0] =	vst.idx.add.f32.msk vm3, v3;
	vm3 =	veq.s32 v11, v0;
	v11 =	vand.u32 $0x7F80, v13;
	v13 =	vtrunc.f32 v17  }
0xec: {  	v12 =	vshll.u32 v61, $0x7;
	v11 =	vor.u32 v4, v11;
	v16 =	vld [tilespmem:s16+$0x40];
	v13 =	vcvt.f32.s32 v13  }
0xed: {  	v17 =	vshll.u32 v19, $0x7;
	[tilespmem:v15+s12+$0x0] =	vst.idx.add.f32.msk vm0, v3;
	v15 =	vshrl.u32 v19, $0x8;
	v20 =	vtrunc.f32 v20  }
0xee: {  	v19 =	vcvt.f32.s32 v20;
	v20 =	vld [tilespmem:s16+$0xFFFFFFB0];
	v62 =	vshrl.u32 v13, $0x8;
	v13 =	vshll.u32 v13, $0x7  }
0xef: {  	[tilespmem:v18+s12+$0x0] =	vst.idx.add.f32.msk vm4, v3;
	vm0 =	veq.s32 v15, v0;
	vm4 =	veq.s32 v62, v0;
	v13 =	vand.u32 $0x7F80, v13  }
0xf0: {  	v15 =	vshrl.u32 v19, $0x8;
	v18 =	vshll.u32 v19, $0x7;
	v19 =	vld [tilespmem:s15+$0xFFFFFFD0];
	v63 =	vor.u32 v9, v13  }
0xf1: {  	[tilespmem:v11+s12+$0x0] =	vst.idx.add.f32.msk vm3, v3;
	vm3 =	veq.s32 v15, v0;
	v11 =	vand.u32 $0x7F80, v18;
	v13 =	vtrunc.f32 v16  }
0xf2: {  	v17 =	vand.u32 $0x7F80, v17;
	v18 =	vor.u32 v4, v11;
	v23 =	vld [tilespmem:s17+$0x20];
	v15 =	vcvt.f32.s32 v13  }
0xf3: {  	v11 =	vor.u32 v9, v17;
	v13 =	vshrl.u32 v61, $0x8;
	v16 =	vtrunc.f32 v20  }
0xf4: {  	[tilespmem:v14+s12+$0x0] =	vst.idx.add.f32.msk vm2, v3;
	v14 =	vcvt.f32.s32 v16;
	v16 =	vshrl.u32 v15, $0x8;
	v15 =	vshll.u32 v15, $0x7  }
0xf5: {  	vm2 =	veq.s32 v16, v0;
	v16 =	vand.u32 $0x7F80, v15;
	v15 =	vtrunc.f32 v19;
	[tilespmem:v63+s12+$0x0] =	vst.idx.add.f32.msk vm4, v3  }
0xf6: {  	v17 =	vshrl.u32 v14, $0x8;
	v19 =	vshll.u32 v14, $0x7;
	v16 =	vor.u32 v7, v16;
	v14 =	vld [tilespmem:s15+$0x70]  }
0xf7: {  	s19 =	simm.s32 $0x580;
	s18 =	simm.s32 $0x8;
	[tilespmem:v18+s12+$0x0] =	vst.idx.add.f32.msk vm3, v3;
	v18 =	vtrunc.f32 v23;
	vm3 =	veq.s32 v17, v0;
	v17 =	vand.u32 $0x7F80, v19  }
.LBB2_4:
0xf8: {  	v19 =	vld [tilespmem:s19+$0x0];
	s18 =	sadd.s32 $0x2, s18;
	v18 =	vcvt.f32.s32 v18;
	v17 =	vor.u32 v6, v17;
	v15 =	vcvt.f32.s32 v15  }
0xf9: {  	vm1 =	veq.s32 v13, v0;
	v12 =	vand.u32 $0x7F80, v12;
	v20 =	vld [tilespmem:s19+$0xFFFFFF80];
	p1 =	slt.u32 s18, $0x30  }
0xfa: {  	v13 =	vld [tilespmem:s17+$0xFFFFFFA0];
	v21 =	vshrl.u32 v18, $0x8;
	v18 =	vshll.u32 v18, $0x7;
	v22 =	vshll.u32 v15, $0x7  }
0xfb: {  	vm4 =	veq.s32 v21, v0;
	v18 =	vand.u32 $0x7F80, v18;
	[tilespmem:v16+s12+$0x0] =	vst.idx.add.f32.msk vm2, v3;
	v14 =	vtrunc.f32 v14  }
0xfc: {  	v15 =	vshrl.u32 v15, $0x8;
	v16 =	vor.u32 v5, v18;
	v18 =	vld [tilespmem:s16+$0x50];
	v14 =	vcvt.f32.s32 v14  }
0xfd: {  	vm2 =	veq.s32 v15, v0;
	v15 =	vand.u32 $0x7F80, v22;
	v19 =	vtrunc.f32 v19;
	[tilespmem:v17+s12+$0x0] =	vst.idx.add.f32.msk vm3, v3  }
0xfe: {  	v17 =	vcvt.f32.s32 v19;
	v19 =	vld [tilespmem:s16+$0xFFFFFFC0];
	v21 =	vshrl.u32 v14, $0x8;
	v14 =	vshll.u32 v14, $0x7  }
0xff: {  	v20 =	vtrunc.f32 v20;
	vm3 =	veq.s32 v21, v0;
	v14 =	vand.u32 $0x7F80, v14;
	[tilespmem:v11+s12+$0x0] =	vst.idx.add.f32.msk vm0, v3  }
0x100: {  	v11 =	vshrl.u32 v17, $0x8;
	v17 =	vshll.u32 v17, $0x7;
	v14 =	vor.u32 v10, v14;
	v21 =	vld [tilespmem:s14+$0xFFFFFFF0];
	s14 =	smov.u32 s15;
	s15 =	smov.u32 s16;
	s16 =	smov.u32 s17  }
0x101: {  	s17 =	smov.u32 s19;
	vm0 =	veq.s32 v11, v0;
	v11 =	vand.u32 $0x7F80, v17;
	[tilespmem:v16+s12+$0x0] =	vst.idx.add.f32.msk vm4, v3;
	v16 =	vtrunc.f32 v18  }
0x102: {  	v17 =	vcvt.f32.s32 v20;
	v11 =	vor.u32 v1, v11;
	v18 =	vld [tilespmem:s16+$0x30];
	v16 =	vcvt.f32.s32 v16  }
0x103: {  	v15 =	vor.u32 v8, v15;
	v13 =	vtrunc.f32 v13;
	v19 =	vtrunc.f32 v19  }
0x104: {  	v20 =	vshll.u32 v17, $0x7;
	v22 =	vshrl.u32 v16, $0x8;
	v16 =	vshll.u32 v16, $0x7  }
0x105: {  	v17 =	vshrl.u32 v17, $0x8;
	vm4 =	veq.s32 v22, v0;
	v16 =	vand.u32 $0x7F80, v16;
	[tilespmem:v14+s12+$0x0] =	vst.idx.add.f32.msk vm3, v3  }
0x106: {  	vm3 =	veq.s32 v17, v0;
	v14 =	vand.u32 $0x7F80, v20;
	v16 =	vor.u32 v8, v16  }
0x107: {  	v14 =	vor.u32 v1, v14;
	[tilespmem:v11+s12+$0x0] =	vst.idx.add.f32.msk vm0, v3;
	v11 =	vcvt.f32.s32 v13;
	v13 =	vtrunc.f32 v18  }
0x108: {  	v12 =	vor.u32 v10, v12;
	v18 =	vcvt.f32.s32 v19;
	v17 =	vld [tilespmem:s19+$0x10];
	v13 =	vcvt.f32.s32 v13  }
0x109: {  	v19 =	vshrl.u32 v11, $0x8;
	v11 =	vshll.u32 v11, $0x7;
	[tilespmem:v15+s12+$0x0] =	vst.idx.add.f32.msk vm2, v3;
	v15 =	vtrunc.f32 v21  }
0x10a: {  	v11 =	vand.u32 $0x7F80, v11;
	v20 =	vshrl.u32 v13, $0x8;
	v13 =	vshll.u32 v13, $0x7;
	v21 =	vld [tilespmem:s14+$0xFFFFFFE0]  }
0x10b: {  	vm0 =	veq.s32 v19, v0;
	vm2 =	veq.s32 v20, v0;
	v13 =	vand.u32 $0x7F80, v13;
	[tilespmem:v16+s12+$0x0] =	vst.idx.add.f32.msk vm4, v3  }
0x10c: {  	v11 =	vor.u32 v5, v11;
	v16 =	vshll.u32 v18, $0x7;
	v13 =	vor.u32 v6, v13;
	v19 =	vld [tilespmem:s15+$0x60]  }
0x10d: {  	v16 =	vand.u32 $0x7F80, v16;
	[tilespmem:v14+s12+$0x0] =	vst.idx.add.f32.msk vm3, v3;
	v14 =	vtrunc.f32 v17;
	v17 =	vshrl.u32 v18, $0x8  }
0x10e: {  	v16 =	vor.u32 v7, v16;
	v18 =	vld [tilespmem:s19+$0xFFFFFF90];
	v14 =	vcvt.f32.s32 v14;
	vm3 =	veq.s32 v17, v0  }
0x10f: {  	v15 =	vcvt.f32.s32 v15;
	v17 =	vtrunc.f32 v21;
	[tilespmem:v12+s12+$0x0] =	vst.idx.add.f32.msk vm1, v3  }
0x110: {  	v12 =	vshrl.u32 v14, $0x8;
	v14 =	vshll.u32 v14, $0x7;
	v17 =	vcvt.f32.s32 v17  }
0x111: {  	vm1 =	veq.s32 v12, v0;
	v12 =	vand.u32 $0x7F80, v14;
	[tilespmem:v13+s12+$0x0] =	vst.idx.add.f32.msk vm2, v3;
	v13 =	vtrunc.f32 v19  }
0x112: {  	v12 =	vor.u32 v4, v12;
	v14 =	vld [tilespmem:s16+$0x40];
	v13 =	vcvt.f32.s32 v13;
	v19 =	vshll.u32 v17, $0x7  }
0x113: {  	v18 =	vtrunc.f32 v18;
	[tilespmem:v11+s12+$0x0] =	vst.idx.add.f32.msk vm0, v3;
	v11 =	vshrl.u32 v17, $0x8;
	v17 =	vand.u32 $0x7F80, v19  }
0x114: {  	v18 =	vcvt.f32.s32 v18;
	v19 =	vld [tilespmem:s16+$0xFFFFFFB0];
	v20 =	vshrl.u32 v13, $0x8;
	v13 =	vshll.u32 v13, $0x7  }
0x115: {  	vm0 =	veq.s32 v11, v0;
	[tilespmem:v16+s12+$0x0] =	vst.idx.add.f32.msk vm3, v3;
	vm3 =	veq.s32 v20, v0;
	v13 =	vand.u32 $0x7F80, v13  }
0x116: {  	v11 =	vshrl.u32 v18, $0x8;
	v16 =	vshll.u32 v18, $0x7;
	v18 =	vld [tilespmem:s15+$0xFFFFFFD0];
	v20 =	vor.u32 v9, v13  }
0x117: {  	vm4 =	veq.s32 v11, v0;
	v11 =	vand.u32 $0x7F80, v16;
	[tilespmem:v12+s12+$0x0] =	vst.idx.add.f32.msk vm1, v3;
	v12 =	vtrunc.f32 v14  }
0x118: {  	v21 =	vor.u32 v4, v11;
	v22 =	vld [tilespmem:s19+$0x20];
	v14 =	vcvt.f32.s32 v12;
	v11 =	vor.u32 v9, v17  }
.Ltmp1:
0x119: {  	v13 =	vshrl.u32 v15, $0x8;
	v12 =	vshll.u32 v15, $0x7;
	v16 =	vtrunc.f32 v19;
	(pc) =	sbr.rel @p1 .LBB2_4-.Ltmp1, $4  }
0x11a: {  	v16 =	vcvt.f32.s32 v16;
	v15 =	vshrl.u32 v14, $0x8;
	v14 =	vshll.u32 v14, $0x7  }
0x11b: {  	vm2 =	veq.s32 v15, v0;
	v14 =	vand.u32 $0x7F80, v14;
	v15 =	vtrunc.f32 v18;
	[tilespmem:v20+s12+$0x0] =	vst.idx.add.f32.msk vm3, v3  }
0x11c: {  	v17 =	vshrl.u32 v16, $0x8;
	v19 =	vshll.u32 v16, $0x7;
	v16 =	vor.u32 v7, v14;
	v14 =	vld [tilespmem:s15+$0x70]  }
0x11d: {  	s19 =	sadd.s32 $0x100, s19;
	[tilespmem:v21+s12+$0x0] =	vst.idx.add.f32.msk vm4, v3;
	v18 =	vtrunc.f32 v22;
	vm3 =	veq.s32 v17, v0;
	v17 =	vand.u32 $0x7F80, v19  }
0x11e: {  	v19 =	vld [tilespmem:s17+$0xFFFFFFA0];
	_ =	sdelay $0x3  }
0x11f: {  	v18 =	vcvt.f32.s32 v18  }
0x120: {  	v19 =	vtrunc.f32 v19  }
0x121: {  	v20 =	vshrl.u32 v18, $0x8;
	v18 =	vshll.u32 v18, $0x7;
	v19 =	vcvt.f32.s32 v19  }
0x122: {  	vm1 =	veq.s32 v20, v0;
	v18 =	vand.u32 $0x7F80, v18  }
0x123: {  	v18 =	vor.u32 v5, v18;
	v35 =	vshrl.u32 v19, $0x8;
	v19 =	vshll.u32 v19, $0x7  }
0x124: {  	v19 =	vand.u32 $0x7F80, v19;
	vm4 =	veq.s32 v35, v0  }
0x125: {  	v19 =	vor.u32 v5, v19;
	_ =	sdelay $0x2  }
0x126: {  	[tilespmem:v18+s12+$0x0] =	vst.idx.add.f32.msk vm1, v3  }
0x127: {  	v18 =	vld [tilespmem:s17+$0x30]  }
0x128: {  	[tilespmem:v19+s12+$0x0] =	vst.idx.add.f32.msk vm4, v3  }
0x129: {  	v19 =	vld [tilespmem:s17+$0xFFFFFFB0];
	_ =	sdelay $0x2  }
0x12a: {  	v18 =	vtrunc.f32 v18  }
0x12b: {  	v18 =	vcvt.f32.s32 v18  }
0x12c: {  	v17 =	vor.u32 v6, v17;
	v19 =	vtrunc.f32 v19  }
0x12d: {  	v36 =	vshrl.u32 v18, $0x8;
	v18 =	vshll.u32 v18, $0x7;
	v19 =	vcvt.f32.s32 v19  }
0x12e: {  	vm14 =	veq.s32 v36, v0;
	v18 =	vand.u32 $0x7F80, v18  }
0x12f: {  	v18 =	vor.u32 v6, v18;
	v37 =	vshrl.u32 v19, $0x8;
	v19 =	vshll.u32 v19, $0x7  }
0x130: {  	vm15 =	veq.s32 v37, v0;
	v38 =	vand.u32 $0x7F80, v19  }
0x131: {  	[tilespmem:v17+s12+$0x0] =	vst.idx.add.f32.msk vm3, v3;
	v17 =	vor.u32 v6, v38  }
0x132: {  	v39 =	vld [tilespmem:s16+$0xFFFFFFC0];
	_ =	sdelay $0x1  }
0x133: {  	[tilespmem:v18+s12+$0x0] =	vst.idx.add.f32.msk vm14, v3  }
0x134: {  	v18 =	vld [tilespmem:s17+$0x40]  }
0x135: {  	[tilespmem:v17+s12+$0x0] =	vst.idx.add.f32.msk vm15, v3  }
0x136: {  	v19 =	vtrunc.f32 v39;
	v41 =	vld [tilespmem:s17+$0xFFFFFFC0]  }
0x137: {  	v40 =	vcvt.f32.s32 v19;
	_ =	sdelay $0x1  }
0x138: {  	v42 =	vshll.u32 v40, $0x7;
	v18 =	vtrunc.f32 v18;
	v17 =	vshrl.u32 v40, $0x8  }
0x139: {  	v20 =	vand.u32 $0x7F80, v42;
	v18 =	vcvt.f32.s32 v18;
	vm6 =	veq.s32 v17, v0  }
0x13a: {  	v43 =	vor.u32 v7, v20;
	v19 =	vtrunc.f32 v41  }
0x13b: {  	[tilespmem:v16+s12+$0x0] =	vst.idx.add.f32.msk vm2, v3;
	v44 =	vshrl.u32 v18, $0x8;
	v18 =	vshll.u32 v18, $0x7;
	v46 =	vcvt.f32.s32 v19  }
0x13c: {  	v47 =	vld [tilespmem:s16+$0x50];
	vm7 =	veq.s32 v44, v0;
	v18 =	vand.u32 $0x7F80, v18  }
0x13d: {  	v45 =	vor.u32 v7, v18;
	v48 =	vshll.u32 v46, $0x7;
	v18 =	vshrl.u32 v46, $0x8  }
0x13e: {  	v49 =	vand.u32 $0x7F80, v48;
	vm8 =	veq.s32 v18, v0  }
0x13f: {  	[tilespmem:v43+s12+$0x0] =	vst.idx.add.f32.msk vm6, v3;
	v17 =	vor.u32 v7, v49  }
0x140: {  	v15 =	vcvt.f32.s32 v15;
	v50 =	vld [tilespmem:s16+$0xFFFFFFD0]  }
0x141: {  	v19 =	vtrunc.f32 v47  }
0x142: {  	v51 =	vshll.u32 v15, $0x7;
	v15 =	vshrl.u32 v15, $0x8;
	v19 =	vcvt.f32.s32 v19;
	[tilespmem:v45+s12+$0x0] =	vst.idx.add.f32.msk vm7, v3  }
0x143: {  	v16 =	vand.u32 $0x7F80, v51;
	vm9 =	veq.s32 v15, v0;
	v52 =	vld [tilespmem:s17+$0x50]  }
0x144: {  	v53 =	vor.u32 v8, v16;
	v54 =	vshrl.u32 v19, $0x8;
	v19 =	vshll.u32 v19, $0x7;
	[tilespmem:v17+s12+$0x0] =	vst.idx.add.f32.msk vm8, v3  }
0x145: {  	vm10 =	veq.s32 v54, v0;
	v55 =	vand.u32 $0x7F80, v19;
	v18 =	vtrunc.f32 v50;
	v57 =	vld [tilespmem:s17+$0xFFFFFFD0]  }
0x146: {  	v16 =	vor.u32 v8, v55;
	v56 =	vcvt.f32.s32 v18;
	_ =	sdelay $0x1  }
0x147: {  	v58 =	vtrunc.f32 v52;
	v59 =	vshll.u32 v56, $0x7;
	v17 =	vshrl.u32 v56, $0x8  }
0x148: {  	[tilespmem:v53+s12+$0x0] =	vst.idx.add.f32.msk vm9, v3;
	v19 =	vcvt.f32.s32 v58;
	vm11 =	veq.s32 v17, v0;
	v60 =	vand.u32 $0x7F80, v59  }
0x149: {  	v63 =	vld [tilespmem:s15+$0xFFFFFFE0];
	v61 =	vor.u32 v8, v60;
	v18 =	vtrunc.f32 v57  }
0x14a: {  	[tilespmem:v16+s12+$0x0] =	vst.idx.add.f32.msk vm10, v3;
	v62 =	vshrl.u32 v19, $0x8;
	v19 =	vshll.u32 v19, $0x7;
	v25 =	vcvt.f32.s32 v18  }
0x14b: {  	v26 =	vld [tilespmem:s16+$0x60];
	vm12 =	veq.s32 v62, v0;
	v23 =	vand.u32 $0x7F80, v19  }
0x14c: {  	v24 =	vor.u32 v8, v23;
	v27 =	vshll.u32 v25, $0x7;
	v17 =	vshrl.u32 v25, $0x8  }
0x14d: {  	vm13 =	veq.s32 v17, v0;
	v28 =	vand.u32 $0x7F80, v27  }
0x14e: {  	v30 =	vtrunc.f32 v63;
	[tilespmem:v61+s12+$0x0] =	vst.idx.add.f32.msk vm11, v3;
	v15 =	vor.u32 v8, v28  }
0x14f: {  	v16 =	vcvt.f32.s32 v30;
	v29 =	vld [tilespmem:s16+$0xFFFFFFE0]  }
0x150: {  	v18 =	vtrunc.f32 v26  }
0x151: {  	v32 =	vshll.u32 v16, $0x7;
	v34 =	vshrl.u32 v16, $0x8;
	v18 =	vcvt.f32.s32 v18;
	[tilespmem:v24+s12+$0x0] =	vst.idx.add.f32.msk vm12, v3  }
0x152: {  	vm1 =	veq.s32 v13, v0;
	v13 =	vand.u32 $0x7F80, v32;
	vm15 =	veq.s32 v34, v0;
	v31 =	vld [tilespmem:s17+$0x60]  }
0x153: {  	v13 =	vor.u32 v9, v13;
	v33 =	vshrl.u32 v18, $0x8;
	v18 =	vshll.u32 v18, $0x7;
	[tilespmem:v15+s12+$0x0] =	vst.idx.add.f32.msk vm13, v3  }
0x154: {  	vm14 =	veq.s32 v33, v0;
	v35 =	vand.u32 $0x7F80, v18;
	v17 =	vtrunc.f32 v29;
	v36 =	vld [tilespmem:s17+$0xFFFFFFE0]  }
0x155: {  	v16 =	vor.u32 v9, v35;
	v17 =	vcvt.f32.s32 v17  }
0x156: {  	[tilespmem:v11+s12+$0x0] =	vst.idx.add.f32.msk vm0, v3  }
0x157: {  	v12 =	vand.u32 $0x7F80, v12;
	v38 =	vld [tilespmem:s14+$0xFFFFFFF0];
	v19 =	vtrunc.f32 v31;
	v11 =	vshll.u32 v17, $0x7  }
0x158: {  	[tilespmem:v13+s12+$0x0] =	vst.idx.add.f32.msk vm15, v3;
	v40 =	vshrl.u32 v17, $0x8;
	v19 =	vcvt.f32.s32 v19;
	v11 =	vand.u32 $0x7F80, v11  }
0x159: {  	v47 =	vld [tilespmem:s15+$0xFFFFFFF0];
	vm9 =	veq.s32 v40, v0;
	v11 =	vor.u32 v9, v11;
	v18 =	vtrunc.f32 v36  }
0x15a: {  	[tilespmem:v16+s12+$0x0] =	vst.idx.add.f32.msk vm14, v3;
	v37 =	vshrl.u32 v19, $0x8;
	v19 =	vshll.u32 v19, $0x7;
	v41 =	vcvt.f32.s32 v18  }
0x15b: {  	v14 =	vtrunc.f32 v14;
	v42 =	vld [tilespmem:s16+$0x70];
	vm8 =	veq.s32 v37, v0;
	v39 =	vand.u32 $0x7F80, v19  }
0x15c: {  	v15 =	vor.u32 v9, v39;
	v43 =	vshll.u32 v41, $0x7;
	v17 =	vshrl.u32 v41, $0x8  }
0x15d: {  	v14 =	vcvt.f32.s32 v14;
	v44 =	vand.u32 $0x7F80, v43;
	vm10 =	veq.s32 v17, v0  }
0x15e: {  	v46 =	vtrunc.f32 v38;
	v19 =	vtrunc.f32 v47;
	v13 =	vor.u32 v9, v44  }
0x15f: {  	v45 =	vshll.u32 v14, $0x7;
	v14 =	vshrl.u32 v14, $0x8;
	v56 =	vcvt.f32.s32 v19;
	[tilespmem:v11+s12+$0x0] =	vst.idx.add.f32.msk vm9, v3  }
0x160: {  	vm11 =	veq.s32 v14, v0;
	v16 =	vand.u32 $0x7F80, v45;
	v49 =	vtrunc.f32 v42;
	v53 =	vld [tilespmem:s16+$0xFFFFFFF0]  }
0x161: {  	v19 =	vshrl.u32 v56, $0x8;
	v17 =	vcvt.f32.s32 v46;
	[tilespmem:v15+s12+$0x0] =	vst.idx.add.f32.msk vm8, v3;
	v15 =	vcvt.f32.s32 v49  }
0x162: {  	v48 =	vor.u32 v10, v16;
	v11 =	vor.u32 v10, v12;
	vm14 =	veq.s32 v19, v0;
	v50 =	vld [tilespmem:s17+$0x70]  }
0x163: {  	v51 =	vshrl.u32 v17, $0x8;
	v17 =	vshll.u32 v17, $0x7;
	v54 =	vshrl.u32 v15, $0x8;
	[tilespmem:v13+s12+$0x0] =	vst.idx.add.f32.msk vm10, v3  }
0x164: {  	v15 =	vshll.u32 v15, $0x7;
	vm12 =	veq.s32 v51, v0;
	v52 =	vand.u32 $0x7F80, v17;
	v57 =	vld [tilespmem:s17+$0xFFFFFFF0]  }
0x165: {  	v55 =	vand.u32 $0x7F80, v15;
	v15 =	vshll.u32 v56, $0x7;
	v17 =	vtrunc.f32 v53  }
0x166: {  	vm13 =	veq.s32 v54, v0;
	v15 =	vand.u32 $0x7F80, v15;
	v17 =	vcvt.f32.s32 v17  }
0x167: {  	v12 =	vor.u32 v10, v52;
	v15 =	vor.u32 v10, v15;
	v16 =	vtrunc.f32 v50  }
0x168: {  	v13 =	vor.u32 v10, v55;
	v59 =	vshrl.u32 v17, $0x8;
	v16 =	vcvt.f32.s32 v16  }
0x169: {  	v17 =	vshll.u32 v17, $0x7;
	vm6 =	veq.s32 v59, v0;
	v18 =	vtrunc.f32 v57  }
0x16a: {  	v60 =	vand.u32 $0x7F80, v17;
	v58 =	vshrl.u32 v16, $0x8;
	v18 =	vcvt.f32.s32 v18  }
0x16b: {  	[tilespmem:v11+s12+$0x0] =	vst.idx.add.f32.msk vm1, v3;
	v11 =	vor.u32 v10, v60;
	v16 =	vshll.u32 v16, $0x7;
	vm5 =	veq.s32 v58, v0  }
0x16c: {  	v16 =	vand.u32 $0x7F80, v16;
	v61 =	vshrl.u32 v18, $0x8;
	v18 =	vshll.u32 v18, $0x7  }
0x16d: {  	[tilespmem:v48+s12+$0x0] =	vst.idx.add.f32.msk vm11, v3;
	v16 =	vor.u32 v10, v16;
	vm15 =	veq.s32 v61, v0;
	v62 =	vand.u32 $0x7F80, v18  }
0x16e: {  	[tilespmem:v12+s12+$0x0] =	vst.idx.add.f32.msk vm12, v3;
	v63 =	vor.u32 v10, v62  }
0x16f: {  	[tilespmem:v15+s12+$0x0] =	vst.idx.add.f32.msk vm14, v3  }
0x170: {  	[tilespmem:v13+s12+$0x0] =	vst.idx.add.f32.msk vm13, v3  }
0x171: {  	[tilespmem:v11+s12+$0x0] =	vst.idx.add.f32.msk vm6, v3  }
0x172: {  	[tilespmem:v16+s12+$0x0] =	vst.idx.add.f32.msk vm5, v3  }
0x173: {  	s14 =	simm.s32 @p0 $0x400;
	s15 =	simm.s32 @p0 $0x2000;
	s16 =	simm.s32 @p0 $0x1C00;
	[tilespmem:v63+s12+$0x0] =	vst.idx.add.f32.msk vm15, v3  }
0x174: {  	[hbm4b:s6+s14] =	stream.strided.scatter @p0 [tilespmem:s16], [sflag:$0x2], $0x7400, s15, s14, $0x38;
	[tilespmem:$0x9C00] =	vst v63  }
0x175: {  	s14 =	simm.s32 @p0 $0x2  }
0x176: {  	s13 =	sadd.s32 $0x1, s13;
	_ =	swait.ge @p0 [sflag:s14], $0x7400  }
0x177: {  	p1 =	sne.s32 s13, s7;
	s15 =	simm.s32 @!p0 $0x2000;
	[sflag:s14] =	ssyncset.done @p0 $0x0  }
0x178: {  	s16 =	simm.s32 @!p0 $0x1C00;
	[sflag:s14] =	ssyncadd.s32 @p0 $0xFFFF8C00;
	s14 =	simm.s32 @!p0 $0x400  }
0x179: {  	[hbm4b:s5+s14] =	stream.strided.scatter @!p0 [tilespmem:s16], [sflag:$0x2], $0x8000, s15, s14, $0x38;
	[tilespmem:$0x9C00] =	vst v63  }
.Ltmp2:
0x17a: {  	_ = 	snop;
	(pc) =	sbr.rel @p1 .LBB2_1-.Ltmp2, $4  }
0x17b: {  	s14 =	simm.s32 @!p0 $0x2  }
0x17c: {  	_ =	swait.ge @!p0 [sflag:s14], $0x8000  }
0x17d: {  	[sflag:s14] =	ssyncset.done @!p0 $0x0  }
0x17e: {  	[sflag:s14] =	ssyncadd.s32 @!p0 $0xFFFF8000  }
0x17f: {  	_ =	sfence.sel $0x180000  }
0x180: {  	[bflag:$0x0] =	sbarrier.arrive $0xFFFF  }
0x181: {  	p0 =	sne.s32 s1, $0x0;
	_ =	strace $0x90000047  }
0x182: {  	s0 =	sadd.s32 @!p0 $0x100000, s0;
	[bflag:$0x2] =	sbarrier.arrive $0xFFFF  }
0x183: {  	[sflag:s0] =	ssyncadd.tile.s32 @!p0 $0x1;
	_ =	shalt  }
.Lfunc_end2:
_tile_overlayer_lowered:
.L_overlay_start_2:
0x184: {  	(tag) =	ssettag $0x2  }
0x185: {  	s0 =	rddreg [dreg:$0x0];
	s2 =	stileid.u32  }
0x186: {  	s1 =	rddreg [dreg:$0x1];
	p0 =	sne.s32 s2, $0x0  }
0x187: {  	s3 =	rddreg [dreg:$0x2];
	[bflag:$0x3] =	sbarrier.arrive $0xFFFF;
	s2 =	simm.s32 @!p0 $0x1C02  }
0x188: {  	[timem:s3], [sflag:s2] =	dma.local @!p0 [hbm:s0], s1  }
0x189: {  	s0 =	simm.s32 @!p0 $0x2  }
0x18a: {  	_ =	swait.ge @!p0 [sflag:s0], s1  }
0x18b: {  	s1 =	ssub.s32 @!p0 $0x0, s1;
	[sflag:s0] =	ssyncset.done @!p0 $0x0  }
0x18c: {  	[sflag:s0] =	ssyncadd.s32 @!p0 s1  }
0x18d: {  	[bflag:$0x3] =	sbarrier.arrive $0xFFFF  }
0x18e: {  	_ =	shalt  }

</sc_bundles>
